<compile_context>
chip_gen: v7x
topology: tpu7x:2x2x1
jax: 0.10.2.dev20260603
libtpu: 0.0.44.dev20260713+nightly
codegen_flags: <defaults>
</compile_context>

<pallas_src>
import functools

import jax
import jax.numpy as jnp
from jax import lax
from jax.experimental import pallas as pl
from jax.experimental.pallas import tpu as pltpu
from jax.experimental.pallas import tpu_sc as plsc

_N = 3
_SEG = 128
_IN = 64
_OUT = 64
_BATCH = 2048
_NC = 2
_NS = 16
_NW = _NC * _NS
_TB = _BATCH // _NW
_JC = 2
_NCHUNK = _IN // _JC
_ROWS = _JC * _TB
_L16 = 16


def _sc_body(xt_hbm, tab_hbm, out_hbm, xv, idxv, bv, rows, accv, sem):
    wid = lax.axis_index("s") * _NC + lax.axis_index("c")
    pltpu.sync_copy(xt_hbm.at[wid], xv)

    iota16 = lax.broadcasted_iota(jnp.int32, (_L16,), 0)
    zeros16 = jnp.zeros((_L16,), jnp.float32)

    def zero_body(i, c):
        accv[i, pl.ds(0, 16)] = zeros16
        accv[i, pl.ds(16, 16)] = zeros16
        accv[i, pl.ds(32, 16)] = zeros16
        accv[i, pl.ds(48, 16)] = zeros16
        return c

    lax.fori_loop(0, _OUT, zero_body, 0)

    def prep_body(j, c):
        jc = j // _JC
        jl = j % _JC
        for tg in range(_TB // _L16):
            xx = xv[j, pl.ds(tg * _L16, _L16)]
            idi = ((xx + 1.0) * (_SEG / 2.0)).astype(jnp.int32)
            idi = jnp.minimum(jnp.maximum(idi, 0), _SEG - 1)
            idf = idi.astype(jnp.float32)
            x_min = idf * (2.0 / _SEG) - 1.0
            u = (xx - x_min) * _SEG - 1.0
            off = jl * _TB + tg * _L16
            idxv[jc, pl.ds(off, _L16)] = idi + j * _SEG
            bv[0, j, pl.ds(tg * _L16, _L16)] = 0.5 * u * (u - 1.0)
            bv[1, j, pl.ds(tg * _L16, _L16)] = 1.0 - u * u
            bv[2, j, pl.ds(tg * _L16, _L16)] = 0.5 * u * (u + 1.0)
        return c

    lax.fori_loop(0, _IN, prep_body, 0)

    def chunk_body(jc, c):
        pltpu.async_copy(tab_hbm.at[idxv.at[jc]], rows, sem).wait()

        def tile_body(m, c2):
            tg = m // 4
            lb = m % 4
            acc = [accv[lb * _L16 + l, pl.ds(tg * _L16, _L16)]
                   for l in range(_L16)]
            for jl in range(_JC):
                j = jc * _JC + jl
                b0 = bv[0, j, pl.ds(tg * _L16, _L16)]
                b1 = bv[1, j, pl.ds(tg * _L16, _L16)]
                b2 = bv[2, j, pl.ds(tg * _L16, _L16)]
                row16 = iota16 + (jl * _TB + tg * _L16)
                for k in range(_N):
                    bk = (b0, b1, b2)[k]
                    for l in range(_L16):
                        col = jnp.full((_L16,), k * _OUT + lb * _L16 + l,
                                       jnp.int32)
                        v = plsc.load_gather(rows, [row16, col])
                        acc[l] = acc[l] + bk * v
            for l in range(_L16):
                accv[lb * _L16 + l, pl.ds(tg * _L16, _L16)] = acc[l]
            return c2

        lax.fori_loop(0, (_TB // _L16) * (_OUT // _L16), tile_body, 0)
        return c

    lax.fori_loop(0, _NCHUNK, chunk_body, 0)

    pltpu.sync_copy(accv, out_hbm.at[wid])


@jax.jit
def kernel(x, w):
    tab = jnp.transpose(w.reshape(_OUT, _IN, _SEG, _N), (1, 2, 3, 0))
    tab = tab.reshape(_IN * _SEG, _N * _OUT)
    xt = x.T.reshape(_IN, _NW, _TB).transpose(1, 0, 2)
    mesh = plsc.VectorSubcoreMesh(core_axis_name="c", subcore_axis_name="s")
    ot = pl.kernel(
        _sc_body,
        mesh=mesh,
        compiler_params=pltpu.CompilerParams(use_tc_tiling_on_sc=False,
                                             needs_layout_passes=False),
        out_type=jax.ShapeDtypeStruct((_NW, _OUT, _TB), jnp.float32),
        scratch_types=[
            pltpu.VMEM((_IN, _TB), jnp.float32),
            pltpu.VMEM((_NCHUNK, _ROWS), jnp.int32),
            pltpu.VMEM((_N, _IN, _TB), jnp.float32),
            pltpu.VMEM((_ROWS, _N * _OUT), jnp.float32),
            pltpu.VMEM((_OUT, _TB), jnp.float32),
            pltpu.SemaphoreType.DMA,
        ],
    )(xt, tab)
    return ot.transpose(0, 2, 1).reshape(_BATCH, _OUT)

# --- scband reference (transcript-rebuilt; emitter-appended) ---
"""Pipeline reference for scband-piecewise-discontinuous-22780506538400 (READ-ONLY COPY).

The authoritative reference and input builder live on the scoring server;
editing this copy changes nothing except your own understanding.
"""

import jax, jax.numpy as jnp
import numpy as np

N = 3
SEGMENTS = 128
IN_FEATURES = 64
OUT_FEATURES = 64
LENGTH = 2.0
HALF = 1.0
BATCH = 2048

def _cheb_lobatto(n):
    k = np.arange(n)
    return jnp.asarray(-np.cos(np.pi * k / (n - 1)), dtype=jnp.float32)

_X = _cheb_lobatto(N)

def _lagrange_basis(x):
    bs = []
    for j in range(N):
        b = jnp.ones_like(x)
        for m in range(N):
            if m != j:
                b = b * (x - _X[m]) / (_X[j] - _X[m])
        bs.append(b)
    return jnp.stack(bs)

def setup_inputs(seed: int = 0):
    key = jax.random.key(seed)
    k1, k2 = jax.random.split(key)
    x = jax.random.uniform(k1, (BATCH, IN_FEATURES), dtype=jnp.float32)
    w = jax.random.uniform(k2, (OUT_FEATURES, IN_FEATURES, N * SEGMENTS), minval=-1.0 / IN_FEATURES, maxval=1.0 / IN_FEATURES, dtype=jnp.float32)
    return {"x": x, "w": w}

def reference(x, w):
    # segment id per (token, feature); torch .long() truncates toward zero, values here are >=0 so trunc==floor
    id_min = ((x + HALF) / LENGTH * SEGMENTS).astype(jnp.int32)
    id_min = jnp.minimum(id_min, SEGMENTS - 1)
    id_min = jnp.maximum(id_min, 0)
    id_max = id_min + 1
    wid_min = id_min * N
    x_min = id_min.astype(jnp.float32) / SEGMENTS * 2.0 - 1.0
    x_max = id_max.astype(jnp.float32) / SEGMENTS * 2.0 - 1.0
    x_in = LENGTH * ((x - x_min) / (x_max - x_min)) - HALF
    wid_min_flat = wid_min.reshape(-1)
    wrange = wid_min_flat[:, None] + jnp.arange(N)
    windex = (jnp.arange(wrange.shape[0] * N) // N) % IN_FEATURES
    wrange_flat = wrange.reshape(-1)
    wg = w[:, windex, wrange_flat]
    wg = wg.reshape(OUT_FEATURES, -1, IN_FEATURES, N)
    wg = jnp.transpose(wg, (1, 2, 0, 3))
    basis = _lagrange_basis(x_in)
    result = jnp.einsum('ijk,jkli->jl', basis, wg)
    return result

if __name__ == "__main__":
    import jax
    _d = setup_inputs()
    print(jax.jit(kernel)(*tuple(_d.values())))

</pallas_src>

<mosaic_0001>
#map = affine_map<(d0, d1) -> (0, 0, 0)>
#map1 = affine_map<(d0, d1) -> (0, 0)>
module attributes {stable_mosaic.version = 14 : i64} {
  func.func @_sc_body(%arg0: i32, %arg1: i32, %arg2: memref<32x64x64xf32, #tpu.memory_space<hbm>>, %arg3: memref<8192x192xf32, #tpu.memory_space<hbm>>, %arg4: memref<32x64x64xf32, #tpu.memory_space<hbm>>, %arg5: memref<64x64xf32, #tpu.memory_space<vmem>>, %arg6: memref<32x128xi32, #tpu.memory_space<vmem>>, %arg7: memref<3x64x64xf32, #tpu.memory_space<vmem>>, %arg8: memref<128x192xf32, #tpu.memory_space<vmem>>, %arg9: memref<64x64xf32, #tpu.memory_space<vmem>>, %arg10: memref<!tpu.dma_semaphore, #tpu.memory_space<semaphore_mem>>) attributes {dimension_semantics = [#tpu.dimension_semantics<core_parallel>, #tpu.dimension_semantics<subcore_parallel>], iteration_bounds = array<i64: 2, 16>, scalar_prefetch = 0 : i64, scratch_operands = 6 : i64, tpu.core_type = #tpu.core_type<sc_vector_subcore>, window_params = [{transform_indices = #map}, {transform_indices = #map1}, {transform_indices = #map}]} {
    %mul3A = arith.constant 2 : i32
    %mul3A_0 = arith.muli %arg1, %mul3A : i32
    %add3A = arith.addi %mul3A_0, %arg0 : i32
    "tpu.region"() ({
      %run_scoped3A = tpu.sem_alloc : memref<!tpu.dma_semaphore, #tpu.memory_space<semaphore_mem>>
      %dma_start3A = arith.constant 0 : i32
      %dma_start3A_19 = arith.constant 0 : i32
      %dma_start3A_20 = tpu.memref_slice %arg2[%add3A, %dma_start3A, %dma_start3A_19] : memref<32x64x64xf32, #tpu.memory_space<hbm>> -> memref<1x64x64xf32, #tpu.memory_space<hbm>>
      %dma_start3A_21 = tpu.memref_squeeze %dma_start3A_20 : memref<1x64x64xf32, #tpu.memory_space<hbm>> -> memref<64x64xf32, #tpu.memory_space<hbm>>
      %dma_start3A_22 = arith.constant 0 : i32
      %dma_start3A_23 = arith.constant 0 : i32
      %dma_start3A_24 = tpu.memref_slice %arg2[%add3A, %dma_start3A_22, %dma_start3A_23] : memref<32x64x64xf32, #tpu.memory_space<hbm>> -> memref<1x64x64xf32, #tpu.memory_space<hbm>>
      %dma_start3A_25 = tpu.memref_squeeze %dma_start3A_24 : memref<1x64x64xf32, #tpu.memory_space<hbm>> -> memref<64x64xf32, #tpu.memory_space<hbm>>
      tpu.enqueue_dma source(%dma_start3A_25 : memref<64x64xf32, #tpu.memory_space<hbm>>) target(%arg5 : memref<64x64xf32, #tpu.memory_space<vmem>>) target_semaphore(%run_scoped3A : memref<!tpu.dma_semaphore, #tpu.memory_space<semaphore_mem>>)
      %dma_wait3A = arith.constant 0 : i32
      %dma_wait3A_26 = arith.constant 0 : i32
      %dma_wait3A_27 = tpu.memref_slice %arg2[%add3A, %dma_wait3A, %dma_wait3A_26] : memref<32x64x64xf32, #tpu.memory_space<hbm>> -> memref<1x64x64xf32, #tpu.memory_space<hbm>>
      %dma_wait3A_28 = tpu.memref_squeeze %dma_wait3A_27 : memref<1x64x64xf32, #tpu.memory_space<hbm>> -> memref<64x64xf32, #tpu.memory_space<hbm>>
      %dma_wait3A_29 = arith.constant 0 : i32
      %dma_wait3A_30 = arith.constant 0 : i32
      %dma_wait3A_31 = tpu.memref_slice %arg2[%add3A, %dma_wait3A_29, %dma_wait3A_30] : memref<32x64x64xf32, #tpu.memory_space<hbm>> -> memref<1x64x64xf32, #tpu.memory_space<hbm>>
      %dma_wait3A_32 = tpu.memref_squeeze %dma_wait3A_31 : memref<1x64x64xf32, #tpu.memory_space<hbm>> -> memref<64x64xf32, #tpu.memory_space<hbm>>
      tpu.wait_dma2 semaphore(%run_scoped3A : memref<!tpu.dma_semaphore, #tpu.memory_space<semaphore_mem>>) src(%dma_wait3A_32 : memref<64x64xf32, #tpu.memory_space<hbm>>) dst(%arg5 : memref<64x64xf32, #tpu.memory_space<vmem>>)
      tpu.yield
    }) : () -> ()
    %iota3A = tpu.iota {dimensions = array<i32: 0>} : vector<16xi32>
    %broadcast_in_dim3A = arith.constant 0.000000e+00 : f32
    %broadcast_in_dim3A_1 = vector.broadcast %broadcast_in_dim3A : f32 to vector<16xf32>
    %scan3A = arith.constant 0 : i32
    %scan3A_2 = arith.constant 0 : i32
    %scan3A_3 = arith.constant 64 : i32
    %scan3A_4 = arith.addi %scan3A_2, %scan3A_3 : i32
    %scan3A_5 = arith.constant 1 : i32
    scf.for %scan3A_19 = %scan3A_2 to %scan3A_4 step %scan3A_5  : i32 {
      %swap3A = arith.index_cast %scan3A_19 : i32 to index
      %swap3A_20 = arith.constant 0 : index
      %swap3A_21 = tpu.vector_load %arg9[%swap3A, %swap3A_20] {strides = array<i32>} : memref<64x64xf32, #tpu.memory_space<vmem>>, vector<16xf32>,
      tpu.vector_store %arg9[%swap3A, %swap3A_20], %broadcast_in_dim3A_1 {strides = array<i32>} : memref<64x64xf32, #tpu.memory_space<vmem>>, vector<16xf32>,
      %swap3A_22 = arith.index_cast %scan3A_19 : i32 to index
      %swap3A_23 = arith.constant 16 : index
      %swap3A_24 = tpu.vector_load %arg9[%swap3A_22, %swap3A_23] {strides = array<i32>} : memref<64x64xf32, #tpu.memory_space<vmem>>, vector<16xf32>,
      tpu.vector_store %arg9[%swap3A_22, %swap3A_23], %broadcast_in_dim3A_1 {strides = array<i32>} : memref<64x64xf32, #tpu.memory_space<vmem>>, vector<16xf32>,
      %swap3A_25 = arith.index_cast %scan3A_19 : i32 to index
      %swap3A_26 = arith.constant 32 : index
      %swap3A_27 = tpu.vector_load %arg9[%swap3A_25, %swap3A_26] {strides = array<i32>} : memref<64x64xf32, #tpu.memory_space<vmem>>, vector<16xf32>,
      tpu.vector_store %arg9[%swap3A_25, %swap3A_26], %broadcast_in_dim3A_1 {strides = array<i32>} : memref<64x64xf32, #tpu.memory_space<vmem>>, vector<16xf32>,
      %swap3A_28 = arith.index_cast %scan3A_19 : i32 to index
      %swap3A_29 = arith.constant 48 : index
      %swap3A_30 = tpu.vector_load %arg9[%swap3A_28, %swap3A_29] {strides = array<i32>} : memref<64x64xf32, #tpu.memory_space<vmem>>, vector<16xf32>,
      tpu.vector_store %arg9[%swap3A_28, %swap3A_29], %broadcast_in_dim3A_1 {strides = array<i32>} : memref<64x64xf32, #tpu.memory_space<vmem>>, vector<16xf32>,
    }
    %scan3A_6 = arith.constant 64 : i32
    %scan3A_7 = arith.constant 0 : i32
    %scan3A_8 = arith.constant 0 : i32
    %scan3A_9 = arith.constant 64 : i32
    %scan3A_10 = arith.addi %scan3A_8, %scan3A_9 : i32
    %scan3A_11 = arith.constant 1 : i32
    scf.for %scan3A_19 = %scan3A_8 to %scan3A_10 step %scan3A_11  : i32 {
      %jit3A = arith.constant 2 : i32
      %div3A = arith.divsi %scan3A_19, %jit3A : i32
      %sign3A = arith.constant 0 : i32
      %sign3A_20 = arith.cmpi sgt, %scan3A_19, %sign3A : i32
      %sign3A_21 = arith.extui %sign3A_20 : i1 to i32
      %sign3A_22 = arith.constant 0 : i32
      %sign3A_23 = arith.cmpi slt, %scan3A_19, %sign3A_22 : i32
      %sign3A_24 = arith.extui %sign3A_23 : i1 to i32
      %sign3A_25 = arith.subi %sign3A_21, %sign3A_24 : i32
      %sign3A_26 = arith.constant 0 : i32
      %sign3A_27 = arith.cmpi sgt, %jit3A, %sign3A_26 : i32
      %sign3A_28 = arith.extui %sign3A_27 : i1 to i32
      %sign3A_29 = arith.constant 0 : i32
      %sign3A_30 = arith.cmpi slt, %jit3A, %sign3A_29 : i32
      %sign3A_31 = arith.extui %sign3A_30 : i1 to i32
      %sign3A_32 = arith.subi %sign3A_28, %sign3A_31 : i32
      %ne3A = arith.cmpi ne, %sign3A_25, %sign3A_32 : i32
      %rem3A = arith.remsi %scan3A_19, %jit3A : i32
      %ne3A_33 = arith.constant 0 : i32
      %ne3A_34 = arith.cmpi ne, %rem3A, %ne3A_33 : i32
      %and3A = arith.andi %ne3A, %ne3A_34 : i1
      %sub3A = arith.constant 1 : i32
      %sub3A_35 = arith.subi %div3A, %sub3A : i32
      %select_n3A = arith.select %and3A, %sub3A_35, %div3A : i32
      %jit3A_36 = arith.constant 2 : i32
      %eq3A = arith.constant 0 : i32
      %eq3A_37 = arith.cmpi eq, %jit3A_36, %eq3A : i32
      %jit3A_38 = arith.constant 1 : i32
      %select_n3A_39 = arith.select %eq3A_37, %jit3A_38, %jit3A_36 : i32
      %rem3A_40 = arith.remsi %scan3A_19, %select_n3A_39 : i32
      %ne3A_41 = arith.constant 0 : i32
      %ne3A_42 = arith.cmpi ne, %rem3A_40, %ne3A_41 : i32
      %lt3A = arith.constant 0 : i32
      %lt3A_43 = arith.cmpi slt, %rem3A_40, %lt3A : i32
      %lt3A_44 = arith.constant 0 : i32
      %lt3A_45 = arith.cmpi slt, %select_n3A_39, %lt3A_44 : i32
      %ne3A_46 = arith.xori %lt3A_43, %lt3A_45 : i1
      %and3A_47 = arith.andi %ne3A_46, %ne3A_42 : i1
      %add3A_48 = arith.addi %rem3A_40, %select_n3A_39 : i32
      %select_n3A_49 = arith.select %and3A_47, %add3A_48, %rem3A_40 : i32
      %get3A = arith.index_cast %scan3A_19 : i32 to index
      %get3A_50 = arith.constant 0 : index
      %get3A_51 = tpu.vector_load %arg5[%get3A, %get3A_50] {strides = array<i32>} : memref<64x64xf32, #tpu.memory_space<vmem>>, vector<16xf32>,
      %add3A_52 = arith.constant 1.000000e+00 : f32
      %add3A_53 = vector.broadcast %add3A_52 : f32 to vector<16xf32>
      %add3A_54 = arith.addf %get3A_51, %add3A_53 : vector<16xf32>
      %mul3A_55 = arith.constant 6.400000e+01 : f32
      %mul3A_56 = vector.broadcast %mul3A_55 : f32 to vector<16xf32>
      %mul3A_57 = arith.mulf %add3A_54, %mul3A_56 : vector<16xf32>
      %convert_element_type3A = arith.fptosi %mul3A_57 : vector<16xf32> to vector<16xi32>
      %max3A = arith.constant 0 : i32
      %max3A_58 = vector.broadcast %max3A : i32 to vector<16xi32>
      %max3A_59 = arith.maxsi %convert_element_type3A, %max3A_58 : vector<16xi32>
      %min3A = arith.constant 127 : i32
      %min3A_60 = vector.broadcast %min3A : i32 to vector<16xi32>
      %min3A_61 = arith.minsi %max3A_59, %min3A_60 : vector<16xi32>
      %convert_element_type3A_62 = arith.sitofp %min3A_61 : vector<16xi32> to vector<16xf32>
      %mul3A_63 = arith.constant 1.562500e-02 : f32
      %mul3A_64 = vector.broadcast %mul3A_63 : f32 to vector<16xf32>
      %mul3A_65 = arith.mulf %convert_element_type3A_62, %mul3A_64 : vector<16xf32>
      %sub3A_66 = arith.constant 1.000000e+00 : f32
      %sub3A_67 = vector.broadcast %sub3A_66 : f32 to vector<16xf32>
      %sub3A_68 = arith.subf %mul3A_65, %sub3A_67 : vector<16xf32>
      %sub3A_69 = arith.subf %get3A_51, %sub3A_68 : vector<16xf32>
      %mul3A_70 = arith.constant 1.280000e+02 : f32
      %mul3A_71 = vector.broadcast %mul3A_70 : f32 to vector<16xf32>
      %mul3A_72 = arith.mulf %sub3A_69, %mul3A_71 : vector<16xf32>
      %sub3A_73 = arith.constant 1.000000e+00 : f32
      %sub3A_74 = vector.broadcast %sub3A_73 : f32 to vector<16xf32>
      %sub3A_75 = arith.subf %mul3A_72, %sub3A_74 : vector<16xf32>
      %mul3A_76 = arith.constant 64 : i32
      %mul3A_77 = arith.muli %select_n3A_49, %mul3A_76 : i32
      %add3A_78 = arith.constant 0 : i32
      %add3A_79 = arith.addi %mul3A_77, %add3A_78 : i32
      %mul3A_80 = arith.constant 128 : i32
      %mul3A_81 = arith.muli %scan3A_19, %mul3A_80 : i32
      %add3A_82 = vector.broadcast %mul3A_81 : i32 to vector<16xi32>
      %add3A_83 = arith.addi %min3A_61, %add3A_82 : vector<16xi32>
      %swap3A = arith.index_cast %select_n3A : i32 to index
      %swap3A_84 = arith.index_cast %add3A_79 : i32 to index
      %swap3A_85 = tpu.vector_load %arg6[%swap3A, %swap3A_84] {strides = array<i32>} : memref<32x128xi32, #tpu.memory_space<vmem>>, vector<16xi32>,
      tpu.vector_store %arg6[%swap3A, %swap3A_84], %add3A_83 {strides = array<i32>} : memref<32x128xi32, #tpu.memory_space<vmem>>, vector<16xi32>,
      %mul3A_86 = arith.constant 5.000000e-01 : f32
      %mul3A_87 = vector.broadcast %mul3A_86 : f32 to vector<16xf32>
      %mul3A_88 = arith.mulf %mul3A_87, %sub3A_75 : vector<16xf32>
      %sub3A_89 = arith.constant 1.000000e+00 : f32
      %sub3A_90 = vector.broadcast %sub3A_89 : f32 to vector<16xf32>
      %sub3A_91 = arith.subf %sub3A_75, %sub3A_90 : vector<16xf32>
      %mul3A_92 = arith.mulf %mul3A_88, %sub3A_91 : vector<16xf32>
      %swap3A_93 = arith.constant 0 : i32
      %swap3A_94 = arith.index_cast %swap3A_93 : i32 to index
      %swap3A_95 = arith.index_cast %scan3A_19 : i32 to index
      %swap3A_96 = arith.constant 0 : index
      %swap3A_97 = tpu.vector_load %arg7[%swap3A_94, %swap3A_95, %swap3A_96] {strides = array<i32>} : memref<3x64x64xf32, #tpu.memory_space<vmem>>, vector<16xf32>,
      tpu.vector_store %arg7[%swap3A_94, %swap3A_95, %swap3A_96], %mul3A_92 {strides = array<i32>} : memref<3x64x64xf32, #tpu.memory_space<vmem>>, vector<16xf32>,
      %mul3A_98 = arith.mulf %sub3A_75, %sub3A_75 : vector<16xf32>
      %sub3A_99 = arith.constant 1.000000e+00 : f32
      %sub3A_100 = vector.broadcast %sub3A_99 : f32 to vector<16xf32>
      %sub3A_101 = arith.subf %sub3A_100, %mul3A_98 : vector<16xf32>
      %swap3A_102 = arith.constant 1 : i32
      %swap3A_103 = arith.index_cast %swap3A_102 : i32 to index
      %swap3A_104 = arith.index_cast %scan3A_19 : i32 to index
      %swap3A_105 = arith.constant 0 : index
      %swap3A_106 = tpu.vector_load %arg7[%swap3A_103, %swap3A_104, %swap3A_105] {strides = array<i32>} : memref<3x64x64xf32, #tpu.memory_space<vmem>>, vector<16xf32>,
      tpu.vector_store %arg7[%swap3A_103, %swap3A_104, %swap3A_105], %sub3A_101 {strides = array<i32>} : memref<3x64x64xf32, #tpu.memory_space<vmem>>, vector<16xf32>,
      %mul3A_107 = arith.constant 5.000000e-01 : f32
      %mul3A_108 = vector.broadcast %mul3A_107 : f32 to vector<16xf32>
      %mul3A_109 = arith.mulf %mul3A_108, %sub3A_75 : vector<16xf32>
      %add3A_110 = arith.constant 1.000000e+00 : f32
      %add3A_111 = vector.broadcast %add3A_110 : f32 to vector<16xf32>
      %add3A_112 = arith.addf %sub3A_75, %add3A_111 : vector<16xf32>
      %mul3A_113 = arith.mulf %mul3A_109, %add3A_112 : vector<16xf32>
      %swap3A_114 = arith.constant 2 : i32
      %swap3A_115 = arith.index_cast %swap3A_114 : i32 to index
      %swap3A_116 = arith.index_cast %scan3A_19 : i32 to index
      %swap3A_117 = arith.constant 0 : index
      %swap3A_118 = tpu.vector_load %arg7[%swap3A_115, %swap3A_116, %swap3A_117] {strides = array<i32>} : memref<3x64x64xf32, #tpu.memory_space<vmem>>, vector<16xf32>,
      tpu.vector_store %arg7[%swap3A_115, %swap3A_116, %swap3A_117], %mul3A_113 {strides = array<i32>} : memref<3x64x64xf32, #tpu.memory_space<vmem>>, vector<16xf32>,
      %get3A_119 = arith.index_cast %scan3A_19 : i32 to index
      %get3A_120 = arith.constant 16 : index
      %get3A_121 = tpu.vector_load %arg5[%get3A_119, %get3A_120] {strides = array<i32>} : memref<64x64xf32, #tpu.memory_space<vmem>>, vector<16xf32>,
      %add3A_122 = arith.constant 1.000000e+00 : f32
      %add3A_123 = vector.broadcast %add3A_122 : f32 to vector<16xf32>
      %add3A_124 = arith.addf %get3A_121, %add3A_123 : vector<16xf32>
      %mul3A_125 = arith.constant 6.400000e+01 : f32
      %mul3A_126 = vector.broadcast %mul3A_125 : f32 to vector<16xf32>
      %mul3A_127 = arith.mulf %add3A_124, %mul3A_126 : vector<16xf32>
      %convert_element_type3A_128 = arith.fptosi %mul3A_127 : vector<16xf32> to vector<16xi32>
      %max3A_129 = arith.constant 0 : i32
      %max3A_130 = vector.broadcast %max3A_129 : i32 to vector<16xi32>
      %max3A_131 = arith.maxsi %convert_element_type3A_128, %max3A_130 : vector<16xi32>
      %min3A_132 = arith.constant 127 : i32
      %min3A_133 = vector.broadcast %min3A_132 : i32 to vector<16xi32>
      %min3A_134 = arith.minsi %max3A_131, %min3A_133 : vector<16xi32>
      %convert_element_type3A_135 = arith.sitofp %min3A_134 : vector<16xi32> to vector<16xf32>
      %mul3A_136 = arith.constant 1.562500e-02 : f32
      %mul3A_137 = vector.broadcast %mul3A_136 : f32 to vector<16xf32>
      %mul3A_138 = arith.mulf %convert_element_type3A_135, %mul3A_137 : vector<16xf32>
      %sub3A_139 = arith.constant 1.000000e+00 : f32
      %sub3A_140 = vector.broadcast %sub3A_139 : f32 to vector<16xf32>
      %sub3A_141 = arith.subf %mul3A_138, %sub3A_140 : vector<16xf32>
      %sub3A_142 = arith.subf %get3A_121, %sub3A_141 : vector<16xf32>
      %mul3A_143 = arith.constant 1.280000e+02 : f32
      %mul3A_144 = vector.broadcast %mul3A_143 : f32 to vector<16xf32>
      %mul3A_145 = arith.mulf %sub3A_142, %mul3A_144 : vector<16xf32>
      %sub3A_146 = arith.constant 1.000000e+00 : f32
      %sub3A_147 = vector.broadcast %sub3A_146 : f32 to vector<16xf32>
      %sub3A_148 = arith.subf %mul3A_145, %sub3A_147 : vector<16xf32>
      %mul3A_149 = arith.constant 64 : i32
      %mul3A_150 = arith.muli %select_n3A_49, %mul3A_149 : i32
      %add3A_151 = arith.constant 16 : i32
      %add3A_152 = arith.addi %mul3A_150, %add3A_151 : i32
      %mul3A_153 = arith.constant 128 : i32
      %mul3A_154 = arith.muli %scan3A_19, %mul3A_153 : i32
      %add3A_155 = vector.broadcast %mul3A_154 : i32 to vector<16xi32>
      %add3A_156 = arith.addi %min3A_134, %add3A_155 : vector<16xi32>
      %swap3A_157 = arith.index_cast %select_n3A : i32 to index
      %swap3A_158 = arith.index_cast %add3A_152 : i32 to index
      %swap3A_159 = tpu.vector_load %arg6[%swap3A_157, %swap3A_158] {strides = array<i32>} : memref<32x128xi32, #tpu.memory_space<vmem>>, vector<16xi32>,
      tpu.vector_store %arg6[%swap3A_157, %swap3A_158], %add3A_156 {strides = array<i32>} : memref<32x128xi32, #tpu.memory_space<vmem>>, vector<16xi32>,
      %mul3A_160 = arith.constant 5.000000e-01 : f32
      %mul3A_161 = vector.broadcast %mul3A_160 : f32 to vector<16xf32>
      %mul3A_162 = arith.mulf %mul3A_161, %sub3A_148 : vector<16xf32>
      %sub3A_163 = arith.constant 1.000000e+00 : f32
      %sub3A_164 = vector.broadcast %sub3A_163 : f32 to vector<16xf32>
      %sub3A_165 = arith.subf %sub3A_148, %sub3A_164 : vector<16xf32>
      %mul3A_166 = arith.mulf %mul3A_162, %sub3A_165 : vector<16xf32>
      %swap3A_167 = arith.constant 0 : i32
      %swap3A_168 = arith.index_cast %swap3A_167 : i32 to index
      %swap3A_169 = arith.index_cast %scan3A_19 : i32 to index
      %swap3A_170 = arith.constant 16 : index
      %swap3A_171 = tpu.vector_load %arg7[%swap3A_168, %swap3A_169, %swap3A_170] {strides = array<i32>} : memref<3x64x64xf32, #tpu.memory_space<vmem>>, vector<16xf32>,
      tpu.vector_store %arg7[%swap3A_168, %swap3A_169, %swap3A_170], %mul3A_166 {strides = array<i32>} : memref<3x64x64xf32, #tpu.memory_space<vmem>>, vector<16xf32>,
      %mul3A_172 = arith.mulf %sub3A_148, %sub3A_148 : vector<16xf32>
      %sub3A_173 = arith.constant 1.000000e+00 : f32
      %sub3A_174 = vector.broadcast %sub3A_173 : f32 to vector<16xf32>
      %sub3A_175 = arith.subf %sub3A_174, %mul3A_172 : vector<16xf32>
      %swap3A_176 = arith.constant 1 : i32
      %swap3A_177 = arith.index_cast %swap3A_176 : i32 to index
      %swap3A_178 = arith.index_cast %scan3A_19 : i32 to index
      %swap3A_179 = arith.constant 16 : index
      %swap3A_180 = tpu.vector_load %arg7[%swap3A_177, %swap3A_178, %swap3A_179] {strides = array<i32>} : memref<3x64x64xf32, #tpu.memory_space<vmem>>, vector<16xf32>,
      tpu.vector_store %arg7[%swap3A_177, %swap3A_178, %swap3A_179], %sub3A_175 {strides = array<i32>} : memref<3x64x64xf32, #tpu.memory_space<vmem>>, vector<16xf32>,
      %mul3A_181 = arith.constant 5.000000e-01 : f32
      %mul3A_182 = vector.broadcast %mul3A_181 : f32 to vector<16xf32>
      %mul3A_183 = arith.mulf %mul3A_182, %sub3A_148 : vector<16xf32>
      %add3A_184 = arith.constant 1.000000e+00 : f32
      %add3A_185 = vector.broadcast %add3A_184 : f32 to vector<16xf32>
      %add3A_186 = arith.addf %sub3A_148, %add3A_185 : vector<16xf32>
      %mul3A_187 = arith.mulf %mul3A_183, %add3A_186 : vector<16xf32>
      %swap3A_188 = arith.constant 2 : i32
      %swap3A_189 = arith.index_cast %swap3A_188 : i32 to index
      %swap3A_190 = arith.index_cast %scan3A_19 : i32 to index
      %swap3A_191 = arith.constant 16 : index
      %swap3A_192 = tpu.vector_load %arg7[%swap3A_189, %swap3A_190, %swap3A_191] {strides = array<i32>} : memref<3x64x64xf32, #tpu.memory_space<vmem>>, vector<16xf32>,
      tpu.vector_store %arg7[%swap3A_189, %swap3A_190, %swap3A_191], %mul3A_187 {strides = array<i32>} : memref<3x64x64xf32, #tpu.memory_space<vmem>>, vector<16xf32>,
      %get3A_193 = arith.index_cast %scan3A_19 : i32 to index
      %get3A_194 = arith.constant 32 : index
      %get3A_195 = tpu.vector_load %arg5[%get3A_193, %get3A_194] {strides = array<i32>} : memref<64x64xf32, #tpu.memory_space<vmem>>, vector<16xf32>,
      %add3A_196 = arith.constant 1.000000e+00 : f32
      %add3A_197 = vector.broadcast %add3A_196 : f32 to vector<16xf32>
      %add3A_198 = arith.addf %get3A_195, %add3A_197 : vector<16xf32>
      %mul3A_199 = arith.constant 6.400000e+01 : f32
      %mul3A_200 = vector.broadcast %mul3A_199 : f32 to vector<16xf32>
      %mul3A_201 = arith.mulf %add3A_198, %mul3A_200 : vector<16xf32>
      %convert_element_type3A_202 = arith.fptosi %mul3A_201 : vector<16xf32> to vector<16xi32>
      %max3A_203 = arith.constant 0 : i32
      %max3A_204 = vector.broadcast %max3A_203 : i32 to vector<16xi32>
      %max3A_205 = arith.maxsi %convert_element_type3A_202, %max3A_204 : vector<16xi32>
      %min3A_206 = arith.constant 127 : i32
      %min3A_207 = vector.broadcast %min3A_206 : i32 to vector<16xi32>
      %min3A_208 = arith.minsi %max3A_205, %min3A_207 : vector<16xi32>
      %convert_element_type3A_209 = arith.sitofp %min3A_208 : vector<16xi32> to vector<16xf32>
      %mul3A_210 = arith.constant 1.562500e-02 : f32
      %mul3A_211 = vector.broadcast %mul3A_210 : f32 to vector<16xf32>
      %mul3A_212 = arith.mulf %convert_element_type3A_209, %mul3A_211 : vector<16xf32>
      %sub3A_213 = arith.constant 1.000000e+00 : f32
      %sub3A_214 = vector.broadcast %sub3A_213 : f32 to vector<16xf32>
      %sub3A_215 = arith.subf %mul3A_212, %sub3A_214 : vector<16xf32>
      %sub3A_216 = arith.subf %get3A_195, %sub3A_215 : vector<16xf32>
      %mul3A_217 = arith.constant 1.280000e+02 : f32
      %mul3A_218 = vector.broadcast %mul3A_217 : f32 to vector<16xf32>
      %mul3A_219 = arith.mulf %sub3A_216, %mul3A_218 : vector<16xf32>
      %sub3A_220 = arith.constant 1.000000e+00 : f32
      %sub3A_221 = vector.broadcast %sub3A_220 : f32 to vector<16xf32>
      %sub3A_222 = arith.subf %mul3A_219, %sub3A_221 : vector<16xf32>
      %mul3A_223 = arith.constant 64 : i32
      %mul3A_224 = arith.muli %select_n3A_49, %mul3A_223 : i32
      %add3A_225 = arith.constant 32 : i32
      %add3A_226 = arith.addi %mul3A_224, %add3A_225 : i32
      %mul3A_227 = arith.constant 128 : i32
      %mul3A_228 = arith.muli %scan3A_19, %mul3A_227 : i32
      %add3A_229 = vector.broadcast %mul3A_228 : i32 to vector<16xi32>
      %add3A_230 = arith.addi %min3A_208, %add3A_229 : vector<16xi32>
      %swap3A_231 = arith.index_cast %select_n3A : i32 to index
      %swap3A_232 = arith.index_cast %add3A_226 : i32 to index
      %swap3A_233 = tpu.vector_load %arg6[%swap3A_231, %swap3A_232] {strides = array<i32>} : memref<32x128xi32, #tpu.memory_space<vmem>>, vector<16xi32>,
      tpu.vector_store %arg6[%swap3A_231, %swap3A_232], %add3A_230 {strides = array<i32>} : memref<32x128xi32, #tpu.memory_space<vmem>>, vector<16xi32>,
      %mul3A_234 = arith.constant 5.000000e-01 : f32
      %mul3A_235 = vector.broadcast %mul3A_234 : f32 to vector<16xf32>
      %mul3A_236 = arith.mulf %mul3A_235, %sub3A_222 : vector<16xf32>
      %sub3A_237 = arith.constant 1.000000e+00 : f32
      %sub3A_238 = vector.broadcast %sub3A_237 : f32 to vector<16xf32>
      %sub3A_239 = arith.subf %sub3A_222, %sub3A_238 : vector<16xf32>
      %mul3A_240 = arith.mulf %mul3A_236, %sub3A_239 : vector<16xf32>
      %swap3A_241 = arith.constant 0 : i32
      %swap3A_242 = arith.index_cast %swap3A_241 : i32 to index
      %swap3A_243 = arith.index_cast %scan3A_19 : i32 to index
      %swap3A_244 = arith.constant 32 : index
      %swap3A_245 = tpu.vector_load %arg7[%swap3A_242, %swap3A_243, %swap3A_244] {strides = array<i32>} : memref<3x64x64xf32, #tpu.memory_space<vmem>>, vector<16xf32>,
      tpu.vector_store %arg7[%swap3A_242, %swap3A_243, %swap3A_244], %mul3A_240 {strides = array<i32>} : memref<3x64x64xf32, #tpu.memory_space<vmem>>, vector<16xf32>,
      %mul3A_246 = arith.mulf %sub3A_222, %sub3A_222 : vector<16xf32>
      %sub3A_247 = arith.constant 1.000000e+00 : f32
      %sub3A_248 = vector.broadcast %sub3A_247 : f32 to vector<16xf32>
      %sub3A_249 = arith.subf %sub3A_248, %mul3A_246 : vector<16xf32>
      %swap3A_250 = arith.constant 1 : i32
      %swap3A_251 = arith.index_cast %swap3A_250 : i32 to index
      %swap3A_252 = arith.index_cast %scan3A_19 : i32 to index
      %swap3A_253 = arith.constant 32 : index
      %swap3A_254 = tpu.vector_load %arg7[%swap3A_251, %swap3A_252, %swap3A_253] {strides = array<i32>} : memref<3x64x64xf32, #tpu.memory_space<vmem>>, vector<16xf32>,
      tpu.vector_store %arg7[%swap3A_251, %swap3A_252, %swap3A_253], %sub3A_249 {strides = array<i32>} : memref<3x64x64xf32, #tpu.memory_space<vmem>>, vector<16xf32>,
      %mul3A_255 = arith.constant 5.000000e-01 : f32
      %mul3A_256 = vector.broadcast %mul3A_255 : f32 to vector<16xf32>
      %mul3A_257 = arith.mulf %mul3A_256, %sub3A_222 : vector<16xf32>
      %add3A_258 = arith.constant 1.000000e+00 : f32
      %add3A_259 = vector.broadcast %add3A_258 : f32 to vector<16xf32>
      %add3A_260 = arith.addf %sub3A_222, %add3A_259 : vector<16xf32>
      %mul3A_261 = arith.mulf %mul3A_257, %add3A_260 : vector<16xf32>
      %swap3A_262 = arith.constant 2 : i32
      %swap3A_263 = arith.index_cast %swap3A_262 : i32 to index
      %swap3A_264 = arith.index_cast %scan3A_19 : i32 to index
      %swap3A_265 = arith.constant 32 : index
      %swap3A_266 = tpu.vector_load %arg7[%swap3A_263, %swap3A_264, %swap3A_265] {strides = array<i32>} : memref<3x64x64xf32, #tpu.memory_space<vmem>>, vector<16xf32>,
      tpu.vector_store %arg7[%swap3A_263, %swap3A_264, %swap3A_265], %mul3A_261 {strides = array<i32>} : memref<3x64x64xf32, #tpu.memory_space<vmem>>, vector<16xf32>,
      %get3A_267 = arith.index_cast %scan3A_19 : i32 to index
      %get3A_268 = arith.constant 48 : index
      %get3A_269 = tpu.vector_load %arg5[%get3A_267, %get3A_268] {strides = array<i32>} : memref<64x64xf32, #tpu.memory_space<vmem>>, vector<16xf32>,
      %add3A_270 = arith.constant 1.000000e+00 : f32
      %add3A_271 = vector.broadcast %add3A_270 : f32 to vector<16xf32>
      %add3A_272 = arith.addf %get3A_269, %add3A_271 : vector<16xf32>
      %mul3A_273 = arith.constant 6.400000e+01 : f32
      %mul3A_274 = vector.broadcast %mul3A_273 : f32 to vector<16xf32>
      %mul3A_275 = arith.mulf %add3A_272, %mul3A_274 : vector<16xf32>
      %convert_element_type3A_276 = arith.fptosi %mul3A_275 : vector<16xf32> to vector<16xi32>
      %max3A_277 = arith.constant 0 : i32
      %max3A_278 = vector.broadcast %max3A_277 : i32 to vector<16xi32>
      %max3A_279 = arith.maxsi %convert_element_type3A_276, %max3A_278 : vector<16xi32>
      %min3A_280 = arith.constant 127 : i32
      %min3A_281 = vector.broadcast %min3A_280 : i32 to vector<16xi32>
      %min3A_282 = arith.minsi %max3A_279, %min3A_281 : vector<16xi32>
      %convert_element_type3A_283 = arith.sitofp %min3A_282 : vector<16xi32> to vector<16xf32>
      %mul3A_284 = arith.constant 1.562500e-02 : f32
      %mul3A_285 = vector.broadcast %mul3A_284 : f32 to vector<16xf32>
      %mul3A_286 = arith.mulf %convert_element_type3A_283, %mul3A_285 : vector<16xf32>
      %sub3A_287 = arith.constant 1.000000e+00 : f32
      %sub3A_288 = vector.broadcast %sub3A_287 : f32 to vector<16xf32>
      %sub3A_289 = arith.subf %mul3A_286, %sub3A_288 : vector<16xf32>
      %sub3A_290 = arith.subf %get3A_269, %sub3A_289 : vector<16xf32>
      %mul3A_291 = arith.constant 1.280000e+02 : f32
      %mul3A_292 = vector.broadcast %mul3A_291 : f32 to vector<16xf32>
      %mul3A_293 = arith.mulf %sub3A_290, %mul3A_292 : vector<16xf32>
      %sub3A_294 = arith.constant 1.000000e+00 : f32
      %sub3A_295 = vector.broadcast %sub3A_294 : f32 to vector<16xf32>
      %sub3A_296 = arith.subf %mul3A_293, %sub3A_295 : vector<16xf32>
      %mul3A_297 = arith.constant 64 : i32
      %mul3A_298 = arith.muli %select_n3A_49, %mul3A_297 : i32
      %add3A_299 = arith.constant 48 : i32
      %add3A_300 = arith.addi %mul3A_298, %add3A_299 : i32
      %mul3A_301 = arith.constant 128 : i32
      %mul3A_302 = arith.muli %scan3A_19, %mul3A_301 : i32
      %add3A_303 = vector.broadcast %mul3A_302 : i32 to vector<16xi32>
      %add3A_304 = arith.addi %min3A_282, %add3A_303 : vector<16xi32>
      %swap3A_305 = arith.index_cast %select_n3A : i32 to index
      %swap3A_306 = arith.index_cast %add3A_300 : i32 to index
      %swap3A_307 = tpu.vector_load %arg6[%swap3A_305, %swap3A_306] {strides = array<i32>} : memref<32x128xi32, #tpu.memory_space<vmem>>, vector<16xi32>,
      tpu.vector_store %arg6[%swap3A_305, %swap3A_306], %add3A_304 {strides = array<i32>} : memref<32x128xi32, #tpu.memory_space<vmem>>, vector<16xi32>,
      %mul3A_308 = arith.constant 5.000000e-01 : f32
      %mul3A_309 = vector.broadcast %mul3A_308 : f32 to vector<16xf32>
      %mul3A_310 = arith.mulf %mul3A_309, %sub3A_296 : vector<16xf32>
      %sub3A_311 = arith.constant 1.000000e+00 : f32
      %sub3A_312 = vector.broadcast %sub3A_311 : f32 to vector<16xf32>
      %sub3A_313 = arith.subf %sub3A_296, %sub3A_312 : vector<16xf32>
      %mul3A_314 = arith.mulf %mul3A_310, %sub3A_313 : vector<16xf32>
      %swap3A_315 = arith.constant 0 : i32
      %swap3A_316 = arith.index_cast %swap3A_315 : i32 to index
      %swap3A_317 = arith.index_cast %scan3A_19 : i32 to index
      %swap3A_318 = arith.constant 48 : index
      %swap3A_319 = tpu.vector_load %arg7[%swap3A_316, %swap3A_317, %swap3A_318] {strides = array<i32>} : memref<3x64x64xf32, #tpu.memory_space<vmem>>, vector<16xf32>,
      tpu.vector_store %arg7[%swap3A_316, %swap3A_317, %swap3A_318], %mul3A_314 {strides = array<i32>} : memref<3x64x64xf32, #tpu.memory_space<vmem>>, vector<16xf32>,
      %mul3A_320 = arith.mulf %sub3A_296, %sub3A_296 : vector<16xf32>
      %sub3A_321 = arith.constant 1.000000e+00 : f32
      %sub3A_322 = vector.broadcast %sub3A_321 : f32 to vector<16xf32>
      %sub3A_323 = arith.subf %sub3A_322, %mul3A_320 : vector<16xf32>
      %swap3A_324 = arith.constant 1 : i32
      %swap3A_325 = arith.index_cast %swap3A_324 : i32 to index
      %swap3A_326 = arith.index_cast %scan3A_19 : i32 to index
      %swap3A_327 = arith.constant 48 : index
      %swap3A_328 = tpu.vector_load %arg7[%swap3A_325, %swap3A_326, %swap3A_327] {strides = array<i32>} : memref<3x64x64xf32, #tpu.memory_space<vmem>>, vector<16xf32>,
      tpu.vector_store %arg7[%swap3A_325, %swap3A_326, %swap3A_327], %sub3A_323 {strides = array<i32>} : memref<3x64x64xf32, #tpu.memory_space<vmem>>, vector<16xf32>,
      %mul3A_329 = arith.constant 5.000000e-01 : f32
      %mul3A_330 = vector.broadcast %mul3A_329 : f32 to vector<16xf32>
      %mul3A_331 = arith.mulf %mul3A_330, %sub3A_296 : vector<16xf32>
      %add3A_332 = arith.constant 1.000000e+00 : f32
      %add3A_333 = vector.broadcast %add3A_332 : f32 to vector<16xf32>
      %add3A_334 = arith.addf %sub3A_296, %add3A_333 : vector<16xf32>
      %mul3A_335 = arith.mulf %mul3A_331, %add3A_334 : vector<16xf32>
      %swap3A_336 = arith.constant 2 : i32
      %swap3A_337 = arith.index_cast %swap3A_336 : i32 to index
      %swap3A_338 = arith.index_cast %scan3A_19 : i32 to index
      %swap3A_339 = arith.constant 48 : index
      %swap3A_340 = tpu.vector_load %arg7[%swap3A_337, %swap3A_338, %swap3A_339] {strides = array<i32>} : memref<3x64x64xf32, #tpu.memory_space<vmem>>, vector<16xf32>,
      tpu.vector_store %arg7[%swap3A_337, %swap3A_338, %swap3A_339], %mul3A_335 {strides = array<i32>} : memref<3x64x64xf32, #tpu.memory_space<vmem>>, vector<16xf32>,
    }
    %scan3A_12 = arith.constant 64 : i32
    %scan3A_13 = arith.constant 0 : i32
    %scan3A_14 = arith.constant 0 : i32
    %scan3A_15 = arith.constant 32 : i32
    %scan3A_16 = arith.addi %scan3A_14, %scan3A_15 : i32
    %scan3A_17 = arith.constant 1 : i32
    scf.for %scan3A_19 = %scan3A_14 to %scan3A_16 step %scan3A_17  : i32 {
      %dma_start3A = arith.constant 0 : i32
      %dma_start3A_20 = tpu.memref_slice %arg6[%scan3A_19, %dma_start3A] : memref<32x128xi32, #tpu.memory_space<vmem>> -> memref<1x128xi32, #tpu.memory_space<vmem>>
      %dma_start3A_21 = tpu.memref_squeeze %dma_start3A_20 : memref<1x128xi32, #tpu.memory_space<vmem>> -> memref<128xi32, #tpu.memory_space<vmem>>
      %dma_start3A_22 = arith.constant 0 : i32
      %dma_start3A_23 = arith.constant 0 : i32
      %dma_start3A_24 = tpu.memref_slice %arg3[%dma_start3A_22, %dma_start3A_23] : memref<8192x192xf32, #tpu.memory_space<hbm>> -> memref<8192x192xf32, #tpu.memory_space<hbm>>
      tpu.enqueue_indirect_dma source(%dma_start3A_24 : memref<8192x192xf32, #tpu.memory_space<hbm>>) target(%arg8 : memref<128x192xf32, #tpu.memory_space<vmem>>) offsets(%dma_start3A_21 : memref<128xi32, #tpu.memory_space<vmem>>) semaphore(%arg10 : memref<!tpu.dma_semaphore, #tpu.memory_space<semaphore_mem>>)
      %dma_wait3A = arith.constant 0 : i32
      %dma_wait3A_25 = tpu.memref_slice %arg6[%scan3A_19, %dma_wait3A] : memref<32x128xi32, #tpu.memory_space<vmem>> -> memref<1x128xi32, #tpu.memory_space<vmem>>
      %dma_wait3A_26 = tpu.memref_squeeze %dma_wait3A_25 : memref<1x128xi32, #tpu.memory_space<vmem>> -> memref<128xi32, #tpu.memory_space<vmem>>
      %dma_wait3A_27 = arith.constant 0 : i32
      %dma_wait3A_28 = arith.constant 0 : i32
      %dma_wait3A_29 = tpu.memref_slice %arg3[%dma_wait3A_27, %dma_wait3A_28] : memref<8192x192xf32, #tpu.memory_space<hbm>> -> memref<8192x192xf32, #tpu.memory_space<hbm>>
      tpu.wait_indirect_dma semaphore(%arg10 : memref<!tpu.dma_semaphore, #tpu.memory_space<semaphore_mem>>) src(%dma_wait3A_29 : memref<8192x192xf32, #tpu.memory_space<hbm>>) dst(%arg8 : memref<128x192xf32, #tpu.memory_space<vmem>>)
      %scan3A_30 = arith.constant 0 : i32
      %scan3A_31 = arith.constant 0 : i32
      %scan3A_32 = arith.constant 16 : i32
      %scan3A_33 = arith.addi %scan3A_31, %scan3A_32 : i32
      %scan3A_34 = arith.constant 1 : i32
      scf.for %scan3A_36 = %scan3A_31 to %scan3A_33 step %scan3A_34  : i32 {
        %jit3A = arith.constant 4 : i32
        %div3A = arith.divsi %scan3A_36, %jit3A : i32
        %sign3A = arith.constant 0 : i32
        %sign3A_37 = arith.cmpi sgt, %scan3A_36, %sign3A : i32
        %sign3A_38 = arith.extui %sign3A_37 : i1 to i32
        %sign3A_39 = arith.constant 0 : i32
        %sign3A_40 = arith.cmpi slt, %scan3A_36, %sign3A_39 : i32
        %sign3A_41 = arith.extui %sign3A_40 : i1 to i32
        %sign3A_42 = arith.subi %sign3A_38, %sign3A_41 : i32
        %sign3A_43 = arith.constant 0 : i32
        %sign3A_44 = arith.cmpi sgt, %jit3A, %sign3A_43 : i32
        %sign3A_45 = arith.extui %sign3A_44 : i1 to i32
        %sign3A_46 = arith.constant 0 : i32
        %sign3A_47 = arith.cmpi slt, %jit3A, %sign3A_46 : i32
        %sign3A_48 = arith.extui %sign3A_47 : i1 to i32
        %sign3A_49 = arith.subi %sign3A_45, %sign3A_48 : i32
        %ne3A = arith.cmpi ne, %sign3A_42, %sign3A_49 : i32
        %rem3A = arith.remsi %scan3A_36, %jit3A : i32
        %ne3A_50 = arith.constant 0 : i32
        %ne3A_51 = arith.cmpi ne, %rem3A, %ne3A_50 : i32
        %and3A = arith.andi %ne3A, %ne3A_51 : i1
        %sub3A = arith.constant 1 : i32
        %sub3A_52 = arith.subi %div3A, %sub3A : i32
        %select_n3A = arith.select %and3A, %sub3A_52, %div3A : i32
        %jit3A_53 = arith.constant 4 : i32
        %eq3A = arith.constant 0 : i32
        %eq3A_54 = arith.cmpi eq, %jit3A_53, %eq3A : i32
        %jit3A_55 = arith.constant 1 : i32
        %select_n3A_56 = arith.select %eq3A_54, %jit3A_55, %jit3A_53 : i32
        %rem3A_57 = arith.remsi %scan3A_36, %select_n3A_56 : i32
        %ne3A_58 = arith.constant 0 : i32
        %ne3A_59 = arith.cmpi ne, %rem3A_57, %ne3A_58 : i32
        %lt3A = arith.constant 0 : i32
        %lt3A_60 = arith.cmpi slt, %rem3A_57, %lt3A : i32
        %lt3A_61 = arith.constant 0 : i32
        %lt3A_62 = arith.cmpi slt, %select_n3A_56, %lt3A_61 : i32
        %ne3A_63 = arith.xori %lt3A_60, %lt3A_62 : i1
        %and3A_64 = arith.andi %ne3A_63, %ne3A_59 : i1
        %add3A_65 = arith.addi %rem3A_57, %select_n3A_56 : i32
        %select_n3A_66 = arith.select %and3A_64, %add3A_65, %rem3A_57 : i32
        %mul3A_67 = arith.constant 16 : i32
        %mul3A_68 = arith.muli %select_n3A_66, %mul3A_67 : i32
        %add3A_69 = arith.constant 0 : i32
        %add3A_70 = arith.addi %mul3A_68, %add3A_69 : i32
        %mul3A_71 = arith.constant 16 : i32
        %mul3A_72 = arith.muli %select_n3A, %mul3A_71 : i32
        %get3A = arith.index_cast %add3A_70 : i32 to index
        %get3A_73 = arith.index_cast %mul3A_72 : i32 to index
        %get3A_74 = tpu.vector_load %arg9[%get3A, %get3A_73] {strides = array<i32>} : memref<64x64xf32, #tpu.memory_space<vmem>>, vector<16xf32>,
        %mul3A_75 = arith.constant 16 : i32
        %mul3A_76 = arith.muli %select_n3A_66, %mul3A_75 : i32
        %add3A_77 = arith.constant 1 : i32
        %add3A_78 = arith.addi %mul3A_76, %add3A_77 : i32
        %mul3A_79 = arith.constant 16 : i32
        %mul3A_80 = arith.muli %select_n3A, %mul3A_79 : i32
        %get3A_81 = arith.index_cast %add3A_78 : i32 to index
        %get3A_82 = arith.index_cast %mul3A_80 : i32 to index
        %get3A_83 = tpu.vector_load %arg9[%get3A_81, %get3A_82] {strides = array<i32>} : memref<64x64xf32, #tpu.memory_space<vmem>>, vector<16xf32>,
        %mul3A_84 = arith.constant 16 : i32
        %mul3A_85 = arith.muli %select_n3A_66, %mul3A_84 : i32
        %add3A_86 = arith.constant 2 : i32
        %add3A_87 = arith.addi %mul3A_85, %add3A_86 : i32
        %mul3A_88 = arith.constant 16 : i32
        %mul3A_89 = arith.muli %select_n3A, %mul3A_88 : i32
        %get3A_90 = arith.index_cast %add3A_87 : i32 to index
        %get3A_91 = arith.index_cast %mul3A_89 : i32 to index
        %get3A_92 = tpu.vector_load %arg9[%get3A_90, %get3A_91] {strides = array<i32>} : memref<64x64xf32, #tpu.memory_space<vmem>>, vector<16xf32>,
        %mul3A_93 = arith.constant 16 : i32
        %mul3A_94 = arith.muli %select_n3A_66, %mul3A_93 : i32
        %add3A_95 = arith.constant 3 : i32
        %add3A_96 = arith.addi %mul3A_94, %add3A_95 : i32
        %mul3A_97 = arith.constant 16 : i32
        %mul3A_98 = arith.muli %select_n3A, %mul3A_97 : i32
        %get3A_99 = arith.index_cast %add3A_96 : i32 to index
        %get3A_100 = arith.index_cast %mul3A_98 : i32 to index
        %get3A_101 = tpu.vector_load %arg9[%get3A_99, %get3A_100] {strides = array<i32>} : memref<64x64xf32, #tpu.memory_space<vmem>>, vector<16xf32>,
        %mul3A_102 = arith.constant 16 : i32
        %mul3A_103 = arith.muli %select_n3A_66, %mul3A_102 : i32
        %add3A_104 = arith.constant 4 : i32
        %add3A_105 = arith.addi %mul3A_103, %add3A_104 : i32
        %mul3A_106 = arith.constant 16 : i32
        %mul3A_107 = arith.muli %select_n3A, %mul3A_106 : i32
        %get3A_108 = arith.index_cast %add3A_105 : i32 to index
        %get3A_109 = arith.index_cast %mul3A_107 : i32 to index
        %get3A_110 = tpu.vector_load %arg9[%get3A_108, %get3A_109] {strides = array<i32>} : memref<64x64xf32, #tpu.memory_space<vmem>>, vector<16xf32>,
        %mul3A_111 = arith.constant 16 : i32
        %mul3A_112 = arith.muli %select_n3A_66, %mul3A_111 : i32
        %add3A_113 = arith.constant 5 : i32
        %add3A_114 = arith.addi %mul3A_112, %add3A_113 : i32
        %mul3A_115 = arith.constant 16 : i32
        %mul3A_116 = arith.muli %select_n3A, %mul3A_115 : i32
        %get3A_117 = arith.index_cast %add3A_114 : i32 to index
        %get3A_118 = arith.index_cast %mul3A_116 : i32 to index
        %get3A_119 = tpu.vector_load %arg9[%get3A_117, %get3A_118] {strides = array<i32>} : memref<64x64xf32, #tpu.memory_space<vmem>>, vector<16xf32>,
        %mul3A_120 = arith.constant 16 : i32
        %mul3A_121 = arith.muli %select_n3A_66, %mul3A_120 : i32
        %add3A_122 = arith.constant 6 : i32
        %add3A_123 = arith.addi %mul3A_121, %add3A_122 : i32
        %mul3A_124 = arith.constant 16 : i32
        %mul3A_125 = arith.muli %select_n3A, %mul3A_124 : i32
        %get3A_126 = arith.index_cast %add3A_123 : i32 to index
        %get3A_127 = arith.index_cast %mul3A_125 : i32 to index
        %get3A_128 = tpu.vector_load %arg9[%get3A_126, %get3A_127] {strides = array<i32>} : memref<64x64xf32, #tpu.memory_space<vmem>>, vector<16xf32>,
        %mul3A_129 = arith.constant 16 : i32
        %mul3A_130 = arith.muli %select_n3A_66, %mul3A_129 : i32
        %add3A_131 = arith.constant 7 : i32
        %add3A_132 = arith.addi %mul3A_130, %add3A_131 : i32
        %mul3A_133 = arith.constant 16 : i32
        %mul3A_134 = arith.muli %select_n3A, %mul3A_133 : i32
        %get3A_135 = arith.index_cast %add3A_132 : i32 to index
        %get3A_136 = arith.index_cast %mul3A_134 : i32 to index
        %get3A_137 = tpu.vector_load %arg9[%get3A_135, %get3A_136] {strides = array<i32>} : memref<64x64xf32, #tpu.memory_space<vmem>>, vector<16xf32>,
        %mul3A_138 = arith.constant 16 : i32
        %mul3A_139 = arith.muli %select_n3A_66, %mul3A_138 : i32
        %add3A_140 = arith.constant 8 : i32
        %add3A_141 = arith.addi %mul3A_139, %add3A_140 : i32
        %mul3A_142 = arith.constant 16 : i32
        %mul3A_143 = arith.muli %select_n3A, %mul3A_142 : i32
        %get3A_144 = arith.index_cast %add3A_141 : i32 to index
        %get3A_145 = arith.index_cast %mul3A_143 : i32 to index
        %get3A_146 = tpu.vector_load %arg9[%get3A_144, %get3A_145] {strides = array<i32>} : memref<64x64xf32, #tpu.memory_space<vmem>>, vector<16xf32>,
        %mul3A_147 = arith.constant 16 : i32
        %mul3A_148 = arith.muli %select_n3A_66, %mul3A_147 : i32
        %add3A_149 = arith.constant 9 : i32
        %add3A_150 = arith.addi %mul3A_148, %add3A_149 : i32
        %mul3A_151 = arith.constant 16 : i32
        %mul3A_152 = arith.muli %select_n3A, %mul3A_151 : i32
        %get3A_153 = arith.index_cast %add3A_150 : i32 to index
        %get3A_154 = arith.index_cast %mul3A_152 : i32 to index
        %get3A_155 = tpu.vector_load %arg9[%get3A_153, %get3A_154] {strides = array<i32>} : memref<64x64xf32, #tpu.memory_space<vmem>>, vector<16xf32>,
        %mul3A_156 = arith.constant 16 : i32
        %mul3A_157 = arith.muli %select_n3A_66, %mul3A_156 : i32
        %add3A_158 = arith.constant 10 : i32
        %add3A_159 = arith.addi %mul3A_157, %add3A_158 : i32
        %mul3A_160 = arith.constant 16 : i32
        %mul3A_161 = arith.muli %select_n3A, %mul3A_160 : i32
        %get3A_162 = arith.index_cast %add3A_159 : i32 to index
        %get3A_163 = arith.index_cast %mul3A_161 : i32 to index
        %get3A_164 = tpu.vector_load %arg9[%get3A_162, %get3A_163] {strides = array<i32>} : memref<64x64xf32, #tpu.memory_space<vmem>>, vector<16xf32>,
        %mul3A_165 = arith.constant 16 : i32
        %mul3A_166 = arith.muli %select_n3A_66, %mul3A_165 : i32
        %add3A_167 = arith.constant 11 : i32
        %add3A_168 = arith.addi %mul3A_166, %add3A_167 : i32
        %mul3A_169 = arith.constant 16 : i32
        %mul3A_170 = arith.muli %select_n3A, %mul3A_169 : i32
        %get3A_171 = arith.index_cast %add3A_168 : i32 to index
        %get3A_172 = arith.index_cast %mul3A_170 : i32 to index
        %get3A_173 = tpu.vector_load %arg9[%get3A_171, %get3A_172] {strides = array<i32>} : memref<64x64xf32, #tpu.memory_space<vmem>>, vector<16xf32>,
        %mul3A_174 = arith.constant 16 : i32
        %mul3A_175 = arith.muli %select_n3A_66, %mul3A_174 : i32
        %add3A_176 = arith.constant 12 : i32
        %add3A_177 = arith.addi %mul3A_175, %add3A_176 : i32
        %mul3A_178 = arith.constant 16 : i32
        %mul3A_179 = arith.muli %select_n3A, %mul3A_178 : i32
        %get3A_180 = arith.index_cast %add3A_177 : i32 to index
        %get3A_181 = arith.index_cast %mul3A_179 : i32 to index
        %get3A_182 = tpu.vector_load %arg9[%get3A_180, %get3A_181] {strides = array<i32>} : memref<64x64xf32, #tpu.memory_space<vmem>>, vector<16xf32>,
        %mul3A_183 = arith.constant 16 : i32
        %mul3A_184 = arith.muli %select_n3A_66, %mul3A_183 : i32
        %add3A_185 = arith.constant 13 : i32
        %add3A_186 = arith.addi %mul3A_184, %add3A_185 : i32
        %mul3A_187 = arith.constant 16 : i32
        %mul3A_188 = arith.muli %select_n3A, %mul3A_187 : i32
        %get3A_189 = arith.index_cast %add3A_186 : i32 to index
        %get3A_190 = arith.index_cast %mul3A_188 : i32 to index
        %get3A_191 = tpu.vector_load %arg9[%get3A_189, %get3A_190] {strides = array<i32>} : memref<64x64xf32, #tpu.memory_space<vmem>>, vector<16xf32>,
        %mul3A_192 = arith.constant 16 : i32
        %mul3A_193 = arith.muli %select_n3A_66, %mul3A_192 : i32
        %add3A_194 = arith.constant 14 : i32
        %add3A_195 = arith.addi %mul3A_193, %add3A_194 : i32
        %mul3A_196 = arith.constant 16 : i32
        %mul3A_197 = arith.muli %select_n3A, %mul3A_196 : i32
        %get3A_198 = arith.index_cast %add3A_195 : i32 to index
        %get3A_199 = arith.index_cast %mul3A_197 : i32 to index
        %get3A_200 = tpu.vector_load %arg9[%get3A_198, %get3A_199] {strides = array<i32>} : memref<64x64xf32, #tpu.memory_space<vmem>>, vector<16xf32>,
        %mul3A_201 = arith.constant 16 : i32
        %mul3A_202 = arith.muli %select_n3A_66, %mul3A_201 : i32
        %add3A_203 = arith.constant 15 : i32
        %add3A_204 = arith.addi %mul3A_202, %add3A_203 : i32
        %mul3A_205 = arith.constant 16 : i32
        %mul3A_206 = arith.muli %select_n3A, %mul3A_205 : i32
        %get3A_207 = arith.index_cast %add3A_204 : i32 to index
        %get3A_208 = arith.index_cast %mul3A_206 : i32 to index
        %get3A_209 = tpu.vector_load %arg9[%get3A_207, %get3A_208] {strides = array<i32>} : memref<64x64xf32, #tpu.memory_space<vmem>>, vector<16xf32>,
        %mul3A_210 = arith.constant 2 : i32
        %mul3A_211 = arith.muli %scan3A_19, %mul3A_210 : i32
        %add3A_212 = arith.constant 0 : i32
        %add3A_213 = arith.addi %mul3A_211, %add3A_212 : i32
        %mul3A_214 = arith.constant 16 : i32
        %mul3A_215 = arith.muli %select_n3A, %mul3A_214 : i32
        %get3A_216 = arith.constant 0 : i32
        %get3A_217 = arith.index_cast %get3A_216 : i32 to index
        %get3A_218 = arith.index_cast %add3A_213 : i32 to index
        %get3A_219 = arith.index_cast %mul3A_215 : i32 to index
        %get3A_220 = tpu.vector_load %arg7[%get3A_217, %get3A_218, %get3A_219] {strides = array<i32>} : memref<3x64x64xf32, #tpu.memory_space<vmem>>, vector<16xf32>,
        %mul3A_221 = arith.constant 16 : i32
        %mul3A_222 = arith.muli %select_n3A, %mul3A_221 : i32
        %get3A_223 = arith.constant 1 : i32
        %get3A_224 = arith.index_cast %get3A_223 : i32 to index
        %get3A_225 = arith.index_cast %add3A_213 : i32 to index
        %get3A_226 = arith.index_cast %mul3A_222 : i32 to index
        %get3A_227 = tpu.vector_load %arg7[%get3A_224, %get3A_225, %get3A_226] {strides = array<i32>} : memref<3x64x64xf32, #tpu.memory_space<vmem>>, vector<16xf32>,
        %mul3A_228 = arith.constant 16 : i32
        %mul3A_229 = arith.muli %select_n3A, %mul3A_228 : i32
        %get3A_230 = arith.constant 2 : i32
        %get3A_231 = arith.index_cast %get3A_230 : i32 to index
        %get3A_232 = arith.index_cast %add3A_213 : i32 to index
        %get3A_233 = arith.index_cast %mul3A_229 : i32 to index
        %get3A_234 = tpu.vector_load %arg7[%get3A_231, %get3A_232, %get3A_233] {strides = array<i32>} : memref<3x64x64xf32, #tpu.memory_space<vmem>>, vector<16xf32>,
        %mul3A_235 = arith.constant 16 : i32
        %mul3A_236 = arith.muli %select_n3A, %mul3A_235 : i32
        %add3A_237 = arith.constant 0 : i32
        %add3A_238 = arith.addi %add3A_237, %mul3A_236 : i32
        %add3A_239 = vector.broadcast %add3A_238 : i32 to vector<16xi32>
        %add3A_240 = arith.addi %iota3A, %add3A_239 : vector<16xi32>
        %mul3A_241 = arith.constant 16 : i32
        %mul3A_242 = arith.muli %select_n3A_66, %mul3A_241 : i32
        %add3A_243 = arith.constant 0 : i32
        %add3A_244 = arith.addi %add3A_243, %mul3A_242 : i32
        %add3A_245 = arith.constant 0 : i32
        %add3A_246 = arith.addi %add3A_244, %add3A_245 : i32
        %broadcast_in_dim3A_247 = vector.broadcast %add3A_246 : i32 to vector<16xi32>
        %gather3A = tpu.vector_load_idx %arg8[%add3A_240, %broadcast_in_dim3A_247] : memref<128x192xf32, #tpu.memory_space<vmem>>[vector<16xi32>, vector<16xi32>], vector<16xf32>,
        %mul3A_248 = arith.mulf %get3A_220, %gather3A : vector<16xf32>
        %add3A_249 = arith.addf %get3A_74, %mul3A_248 : vector<16xf32>
        %mul3A_250 = arith.constant 16 : i32
        %mul3A_251 = arith.muli %select_n3A_66, %mul3A_250 : i32
        %add3A_252 = arith.constant 0 : i32
        %add3A_253 = arith.addi %add3A_252, %mul3A_251 : i32
        %add3A_254 = arith.constant 1 : i32
        %add3A_255 = arith.addi %add3A_253, %add3A_254 : i32
        %broadcast_in_dim3A_256 = vector.broadcast %add3A_255 : i32 to vector<16xi32>
        %gather3A_257 = tpu.vector_load_idx %arg8[%add3A_240, %broadcast_in_dim3A_256] : memref<128x192xf32, #tpu.memory_space<vmem>>[vector<16xi32>, vector<16xi32>], vector<16xf32>,
        %mul3A_258 = arith.mulf %get3A_220, %gather3A_257 : vector<16xf32>
        %add3A_259 = arith.addf %get3A_83, %mul3A_258 : vector<16xf32>
        %mul3A_260 = arith.constant 16 : i32
        %mul3A_261 = arith.muli %select_n3A_66, %mul3A_260 : i32
        %add3A_262 = arith.constant 0 : i32
        %add3A_263 = arith.addi %add3A_262, %mul3A_261 : i32
        %add3A_264 = arith.constant 2 : i32
        %add3A_265 = arith.addi %add3A_263, %add3A_264 : i32
        %broadcast_in_dim3A_266 = vector.broadcast %add3A_265 : i32 to vector<16xi32>
        %gather3A_267 = tpu.vector_load_idx %arg8[%add3A_240, %broadcast_in_dim3A_266] : memref<128x192xf32, #tpu.memory_space<vmem>>[vector<16xi32>, vector<16xi32>], vector<16xf32>,
        %mul3A_268 = arith.mulf %get3A_220, %gather3A_267 : vector<16xf32>
        %add3A_269 = arith.addf %get3A_92, %mul3A_268 : vector<16xf32>
        %mul3A_270 = arith.constant 16 : i32
        %mul3A_271 = arith.muli %select_n3A_66, %mul3A_270 : i32
        %add3A_272 = arith.constant 0 : i32
        %add3A_273 = arith.addi %add3A_272, %mul3A_271 : i32
        %add3A_274 = arith.constant 3 : i32
        %add3A_275 = arith.addi %add3A_273, %add3A_274 : i32
        %broadcast_in_dim3A_276 = vector.broadcast %add3A_275 : i32 to vector<16xi32>
        %gather3A_277 = tpu.vector_load_idx %arg8[%add3A_240, %broadcast_in_dim3A_276] : memref<128x192xf32, #tpu.memory_space<vmem>>[vector<16xi32>, vector<16xi32>], vector<16xf32>,
        %mul3A_278 = arith.mulf %get3A_220, %gather3A_277 : vector<16xf32>
        %add3A_279 = arith.addf %get3A_101, %mul3A_278 : vector<16xf32>
        %mul3A_280 = arith.constant 16 : i32
        %mul3A_281 = arith.muli %select_n3A_66, %mul3A_280 : i32
        %add3A_282 = arith.constant 0 : i32
        %add3A_283 = arith.addi %add3A_282, %mul3A_281 : i32
        %add3A_284 = arith.constant 4 : i32
        %add3A_285 = arith.addi %add3A_283, %add3A_284 : i32
        %broadcast_in_dim3A_286 = vector.broadcast %add3A_285 : i32 to vector<16xi32>
        %gather3A_287 = tpu.vector_load_idx %arg8[%add3A_240, %broadcast_in_dim3A_286] : memref<128x192xf32, #tpu.memory_space<vmem>>[vector<16xi32>, vector<16xi32>], vector<16xf32>,
        %mul3A_288 = arith.mulf %get3A_220, %gather3A_287 : vector<16xf32>
        %add3A_289 = arith.addf %get3A_110, %mul3A_288 : vector<16xf32>
        %mul3A_290 = arith.constant 16 : i32
        %mul3A_291 = arith.muli %select_n3A_66, %mul3A_290 : i32
        %add3A_292 = arith.constant 0 : i32
        %add3A_293 = arith.addi %add3A_292, %mul3A_291 : i32
        %add3A_294 = arith.constant 5 : i32
        %add3A_295 = arith.addi %add3A_293, %add3A_294 : i32
        %broadcast_in_dim3A_296 = vector.broadcast %add3A_295 : i32 to vector<16xi32>
        %gather3A_297 = tpu.vector_load_idx %arg8[%add3A_240, %broadcast_in_dim3A_296] : memref<128x192xf32, #tpu.memory_space<vmem>>[vector<16xi32>, vector<16xi32>], vector<16xf32>,
        %mul3A_298 = arith.mulf %get3A_220, %gather3A_297 : vector<16xf32>
        %add3A_299 = arith.addf %get3A_119, %mul3A_298 : vector<16xf32>
        %mul3A_300 = arith.constant 16 : i32
        %mul3A_301 = arith.muli %select_n3A_66, %mul3A_300 : i32
        %add3A_302 = arith.constant 0 : i32
        %add3A_303 = arith.addi %add3A_302, %mul3A_301 : i32
        %add3A_304 = arith.constant 6 : i32
        %add3A_305 = arith.addi %add3A_303, %add3A_304 : i32
        %broadcast_in_dim3A_306 = vector.broadcast %add3A_305 : i32 to vector<16xi32>
        %gather3A_307 = tpu.vector_load_idx %arg8[%add3A_240, %broadcast_in_dim3A_306] : memref<128x192xf32, #tpu.memory_space<vmem>>[vector<16xi32>, vector<16xi32>], vector<16xf32>,
        %mul3A_308 = arith.mulf %get3A_220, %gather3A_307 : vector<16xf32>
        %add3A_309 = arith.addf %get3A_128, %mul3A_308 : vector<16xf32>
        %mul3A_310 = arith.constant 16 : i32
        %mul3A_311 = arith.muli %select_n3A_66, %mul3A_310 : i32
        %add3A_312 = arith.constant 0 : i32
        %add3A_313 = arith.addi %add3A_312, %mul3A_311 : i32
        %add3A_314 = arith.constant 7 : i32
        %add3A_315 = arith.addi %add3A_313, %add3A_314 : i32
        %broadcast_in_dim3A_316 = vector.broadcast %add3A_315 : i32 to vector<16xi32>
        %gather3A_317 = tpu.vector_load_idx %arg8[%add3A_240, %broadcast_in_dim3A_316] : memref<128x192xf32, #tpu.memory_space<vmem>>[vector<16xi32>, vector<16xi32>], vector<16xf32>,
        %mul3A_318 = arith.mulf %get3A_220, %gather3A_317 : vector<16xf32>
        %add3A_319 = arith.addf %get3A_137, %mul3A_318 : vector<16xf32>
        %mul3A_320 = arith.constant 16 : i32
        %mul3A_321 = arith.muli %select_n3A_66, %mul3A_320 : i32
        %add3A_322 = arith.constant 0 : i32
        %add3A_323 = arith.addi %add3A_322, %mul3A_321 : i32
        %add3A_324 = arith.constant 8 : i32
        %add3A_325 = arith.addi %add3A_323, %add3A_324 : i32
        %broadcast_in_dim3A_326 = vector.broadcast %add3A_325 : i32 to vector<16xi32>
        %gather3A_327 = tpu.vector_load_idx %arg8[%add3A_240, %broadcast_in_dim3A_326] : memref<128x192xf32, #tpu.memory_space<vmem>>[vector<16xi32>, vector<16xi32>], vector<16xf32>,
        %mul3A_328 = arith.mulf %get3A_220, %gather3A_327 : vector<16xf32>
        %add3A_329 = arith.addf %get3A_146, %mul3A_328 : vector<16xf32>
        %mul3A_330 = arith.constant 16 : i32
        %mul3A_331 = arith.muli %select_n3A_66, %mul3A_330 : i32
        %add3A_332 = arith.constant 0 : i32
        %add3A_333 = arith.addi %add3A_332, %mul3A_331 : i32
        %add3A_334 = arith.constant 9 : i32
        %add3A_335 = arith.addi %add3A_333, %add3A_334 : i32
        %broadcast_in_dim3A_336 = vector.broadcast %add3A_335 : i32 to vector<16xi32>
        %gather3A_337 = tpu.vector_load_idx %arg8[%add3A_240, %broadcast_in_dim3A_336] : memref<128x192xf32, #tpu.memory_space<vmem>>[vector<16xi32>, vector<16xi32>], vector<16xf32>,
        %mul3A_338 = arith.mulf %get3A_220, %gather3A_337 : vector<16xf32>
        %add3A_339 = arith.addf %get3A_155, %mul3A_338 : vector<16xf32>
        %mul3A_340 = arith.constant 16 : i32
        %mul3A_341 = arith.muli %select_n3A_66, %mul3A_340 : i32
        %add3A_342 = arith.constant 0 : i32
        %add3A_343 = arith.addi %add3A_342, %mul3A_341 : i32
        %add3A_344 = arith.constant 10 : i32
        %add3A_345 = arith.addi %add3A_343, %add3A_344 : i32
        %broadcast_in_dim3A_346 = vector.broadcast %add3A_345 : i32 to vector<16xi32>
        %gather3A_347 = tpu.vector_load_idx %arg8[%add3A_240, %broadcast_in_dim3A_346] : memref<128x192xf32, #tpu.memory_space<vmem>>[vector<16xi32>, vector<16xi32>], vector<16xf32>,
        %mul3A_348 = arith.mulf %get3A_220, %gather3A_347 : vector<16xf32>
        %add3A_349 = arith.addf %get3A_164, %mul3A_348 : vector<16xf32>
        %mul3A_350 = arith.constant 16 : i32
        %mul3A_351 = arith.muli %select_n3A_66, %mul3A_350 : i32
        %add3A_352 = arith.constant 0 : i32
        %add3A_353 = arith.addi %add3A_352, %mul3A_351 : i32
        %add3A_354 = arith.constant 11 : i32
        %add3A_355 = arith.addi %add3A_353, %add3A_354 : i32
        %broadcast_in_dim3A_356 = vector.broadcast %add3A_355 : i32 to vector<16xi32>
        %gather3A_357 = tpu.vector_load_idx %arg8[%add3A_240, %broadcast_in_dim3A_356] : memref<128x192xf32, #tpu.memory_space<vmem>>[vector<16xi32>, vector<16xi32>], vector<16xf32>,
        %mul3A_358 = arith.mulf %get3A_220, %gather3A_357 : vector<16xf32>
        %add3A_359 = arith.addf %get3A_173, %mul3A_358 : vector<16xf32>
        %mul3A_360 = arith.constant 16 : i32
        %mul3A_361 = arith.muli %select_n3A_66, %mul3A_360 : i32
        %add3A_362 = arith.constant 0 : i32
        %add3A_363 = arith.addi %add3A_362, %mul3A_361 : i32
        %add3A_364 = arith.constant 12 : i32
        %add3A_365 = arith.addi %add3A_363, %add3A_364 : i32
        %broadcast_in_dim3A_366 = vector.broadcast %add3A_365 : i32 to vector<16xi32>
        %gather3A_367 = tpu.vector_load_idx %arg8[%add3A_240, %broadcast_in_dim3A_366] : memref<128x192xf32, #tpu.memory_space<vmem>>[vector<16xi32>, vector<16xi32>], vector<16xf32>,
        %mul3A_368 = arith.mulf %get3A_220, %gather3A_367 : vector<16xf32>
        %add3A_369 = arith.addf %get3A_182, %mul3A_368 : vector<16xf32>
        %mul3A_370 = arith.constant 16 : i32
        %mul3A_371 = arith.muli %select_n3A_66, %mul3A_370 : i32
        %add3A_372 = arith.constant 0 : i32
        %add3A_373 = arith.addi %add3A_372, %mul3A_371 : i32
        %add3A_374 = arith.constant 13 : i32
        %add3A_375 = arith.addi %add3A_373, %add3A_374 : i32
        %broadcast_in_dim3A_376 = vector.broadcast %add3A_375 : i32 to vector<16xi32>
        %gather3A_377 = tpu.vector_load_idx %arg8[%add3A_240, %broadcast_in_dim3A_376] : memref<128x192xf32, #tpu.memory_space<vmem>>[vector<16xi32>, vector<16xi32>], vector<16xf32>,
        %mul3A_378 = arith.mulf %get3A_220, %gather3A_377 : vector<16xf32>
        %add3A_379 = arith.addf %get3A_191, %mul3A_378 : vector<16xf32>
        %mul3A_380 = arith.constant 16 : i32
        %mul3A_381 = arith.muli %select_n3A_66, %mul3A_380 : i32
        %add3A_382 = arith.constant 0 : i32
        %add3A_383 = arith.addi %add3A_382, %mul3A_381 : i32
        %add3A_384 = arith.constant 14 : i32
        %add3A_385 = arith.addi %add3A_383, %add3A_384 : i32
        %broadcast_in_dim3A_386 = vector.broadcast %add3A_385 : i32 to vector<16xi32>
        %gather3A_387 = tpu.vector_load_idx %arg8[%add3A_240, %broadcast_in_dim3A_386] : memref<128x192xf32, #tpu.memory_space<vmem>>[vector<16xi32>, vector<16xi32>], vector<16xf32>,
        %mul3A_388 = arith.mulf %get3A_220, %gather3A_387 : vector<16xf32>
        %add3A_389 = arith.addf %get3A_200, %mul3A_388 : vector<16xf32>
        %mul3A_390 = arith.constant 16 : i32
        %mul3A_391 = arith.muli %select_n3A_66, %mul3A_390 : i32
        %add3A_392 = arith.constant 0 : i32
        %add3A_393 = arith.addi %add3A_392, %mul3A_391 : i32
        %add3A_394 = arith.constant 15 : i32
        %add3A_395 = arith.addi %add3A_393, %add3A_394 : i32
        %broadcast_in_dim3A_396 = vector.broadcast %add3A_395 : i32 to vector<16xi32>
        %gather3A_397 = tpu.vector_load_idx %arg8[%add3A_240, %broadcast_in_dim3A_396] : memref<128x192xf32, #tpu.memory_space<vmem>>[vector<16xi32>, vector<16xi32>], vector<16xf32>,
        %mul3A_398 = arith.mulf %get3A_220, %gather3A_397 : vector<16xf32>
        %add3A_399 = arith.addf %get3A_209, %mul3A_398 : vector<16xf32>
        %mul3A_400 = arith.constant 16 : i32
        %mul3A_401 = arith.muli %select_n3A_66, %mul3A_400 : i32
        %add3A_402 = arith.constant 64 : i32
        %add3A_403 = arith.addi %add3A_402, %mul3A_401 : i32
        %add3A_404 = arith.constant 0 : i32
        %add3A_405 = arith.addi %add3A_403, %add3A_404 : i32
        %broadcast_in_dim3A_406 = vector.broadcast %add3A_405 : i32 to vector<16xi32>
        %gather3A_407 = tpu.vector_load_idx %arg8[%add3A_240, %broadcast_in_dim3A_406] : memref<128x192xf32, #tpu.memory_space<vmem>>[vector<16xi32>, vector<16xi32>], vector<16xf32>,
        %mul3A_408 = arith.mulf %get3A_227, %gather3A_407 : vector<16xf32>
        %add3A_409 = arith.addf %add3A_249, %mul3A_408 : vector<16xf32>
        %mul3A_410 = arith.constant 16 : i32
        %mul3A_411 = arith.muli %select_n3A_66, %mul3A_410 : i32
        %add3A_412 = arith.constant 64 : i32
        %add3A_413 = arith.addi %add3A_412, %mul3A_411 : i32
        %add3A_414 = arith.constant 1 : i32
        %add3A_415 = arith.addi %add3A_413, %add3A_414 : i32
        %broadcast_in_dim3A_416 = vector.broadcast %add3A_415 : i32 to vector<16xi32>
        %gather3A_417 = tpu.vector_load_idx %arg8[%add3A_240, %broadcast_in_dim3A_416] : memref<128x192xf32, #tpu.memory_space<vmem>>[vector<16xi32>, vector<16xi32>], vector<16xf32>,
        %mul3A_418 = arith.mulf %get3A_227, %gather3A_417 : vector<16xf32>
        %add3A_419 = arith.addf %add3A_259, %mul3A_418 : vector<16xf32>
        %mul3A_420 = arith.constant 16 : i32
        %mul3A_421 = arith.muli %select_n3A_66, %mul3A_420 : i32
        %add3A_422 = arith.constant 64 : i32
        %add3A_423 = arith.addi %add3A_422, %mul3A_421 : i32
        %add3A_424 = arith.constant 2 : i32
        %add3A_425 = arith.addi %add3A_423, %add3A_424 : i32
        %broadcast_in_dim3A_426 = vector.broadcast %add3A_425 : i32 to vector<16xi32>
        %gather3A_427 = tpu.vector_load_idx %arg8[%add3A_240, %broadcast_in_dim3A_426] : memref<128x192xf32, #tpu.memory_space<vmem>>[vector<16xi32>, vector<16xi32>], vector<16xf32>,
        %mul3A_428 = arith.mulf %get3A_227, %gather3A_427 : vector<16xf32>
        %add3A_429 = arith.addf %add3A_269, %mul3A_428 : vector<16xf32>
        %mul3A_430 = arith.constant 16 : i32
        %mul3A_431 = arith.muli %select_n3A_66, %mul3A_430 : i32
        %add3A_432 = arith.constant 64 : i32
        %add3A_433 = arith.addi %add3A_432, %mul3A_431 : i32
        %add3A_434 = arith.constant 3 : i32
        %add3A_435 = arith.addi %add3A_433, %add3A_434 : i32
        %broadcast_in_dim3A_436 = vector.broadcast %add3A_435 : i32 to vector<16xi32>
        %gather3A_437 = tpu.vector_load_idx %arg8[%add3A_240, %broadcast_in_dim3A_436] : memref<128x192xf32, #tpu.memory_space<vmem>>[vector<16xi32>, vector<16xi32>], vector<16xf32>,
        %mul3A_438 = arith.mulf %get3A_227, %gather3A_437 : vector<16xf32>
        %add3A_439 = arith.addf %add3A_279, %mul3A_438 : vector<16xf32>
        %mul3A_440 = arith.constant 16 : i32
        %mul3A_441 = arith.muli %select_n3A_66, %mul3A_440 : i32
        %add3A_442 = arith.constant 64 : i32
        %add3A_443 = arith.addi %add3A_442, %mul3A_441 : i32
        %add3A_444 = arith.constant 4 : i32
        %add3A_445 = arith.addi %add3A_443, %add3A_444 : i32
        %broadcast_in_dim3A_446 = vector.broadcast %add3A_445 : i32 to vector<16xi32>
        %gather3A_447 = tpu.vector_load_idx %arg8[%add3A_240, %broadcast_in_dim3A_446] : memref<128x192xf32, #tpu.memory_space<vmem>>[vector<16xi32>, vector<16xi32>], vector<16xf32>,
        %mul3A_448 = arith.mulf %get3A_227, %gather3A_447 : vector<16xf32>
        %add3A_449 = arith.addf %add3A_289, %mul3A_448 : vector<16xf32>
        %mul3A_450 = arith.constant 16 : i32
        %mul3A_451 = arith.muli %select_n3A_66, %mul3A_450 : i32
        %add3A_452 = arith.constant 64 : i32
        %add3A_453 = arith.addi %add3A_452, %mul3A_451 : i32
        %add3A_454 = arith.constant 5 : i32
        %add3A_455 = arith.addi %add3A_453, %add3A_454 : i32
        %broadcast_in_dim3A_456 = vector.broadcast %add3A_455 : i32 to vector<16xi32>
        %gather3A_457 = tpu.vector_load_idx %arg8[%add3A_240, %broadcast_in_dim3A_456] : memref<128x192xf32, #tpu.memory_space<vmem>>[vector<16xi32>, vector<16xi32>], vector<16xf32>,
        %mul3A_458 = arith.mulf %get3A_227, %gather3A_457 : vector<16xf32>
        %add3A_459 = arith.addf %add3A_299, %mul3A_458 : vector<16xf32>
        %mul3A_460 = arith.constant 16 : i32
        %mul3A_461 = arith.muli %select_n3A_66, %mul3A_460 : i32
        %add3A_462 = arith.constant 64 : i32
        %add3A_463 = arith.addi %add3A_462, %mul3A_461 : i32
        %add3A_464 = arith.constant 6 : i32
        %add3A_465 = arith.addi %add3A_463, %add3A_464 : i32
        %broadcast_in_dim3A_466 = vector.broadcast %add3A_465 : i32 to vector<16xi32>
        %gather3A_467 = tpu.vector_load_idx %arg8[%add3A_240, %broadcast_in_dim3A_466] : memref<128x192xf32, #tpu.memory_space<vmem>>[vector<16xi32>, vector<16xi32>], vector<16xf32>,
        %mul3A_468 = arith.mulf %get3A_227, %gather3A_467 : vector<16xf32>
        %add3A_469 = arith.addf %add3A_309, %mul3A_468 : vector<16xf32>
        %mul3A_470 = arith.constant 16 : i32
        %mul3A_471 = arith.muli %select_n3A_66, %mul3A_470 : i32
        %add3A_472 = arith.constant 64 : i32
        %add3A_473 = arith.addi %add3A_472, %mul3A_471 : i32
        %add3A_474 = arith.constant 7 : i32
        %add3A_475 = arith.addi %add3A_473, %add3A_474 : i32
        %broadcast_in_dim3A_476 = vector.broadcast %add3A_475 : i32 to vector<16xi32>
        %gather3A_477 = tpu.vector_load_idx %arg8[%add3A_240, %broadcast_in_dim3A_476] : memref<128x192xf32, #tpu.memory_space<vmem>>[vector<16xi32>, vector<16xi32>], vector<16xf32>,
        %mul3A_478 = arith.mulf %get3A_227, %gather3A_477 : vector<16xf32>
        %add3A_479 = arith.addf %add3A_319, %mul3A_478 : vector<16xf32>
        %mul3A_480 = arith.constant 16 : i32
        %mul3A_481 = arith.muli %select_n3A_66, %mul3A_480 : i32
        %add3A_482 = arith.constant 64 : i32
        %add3A_483 = arith.addi %add3A_482, %mul3A_481 : i32
        %add3A_484 = arith.constant 8 : i32
        %add3A_485 = arith.addi %add3A_483, %add3A_484 : i32
        %broadcast_in_dim3A_486 = vector.broadcast %add3A_485 : i32 to vector<16xi32>
        %gather3A_487 = tpu.vector_load_idx %arg8[%add3A_240, %broadcast_in_dim3A_486] : memref<128x192xf32, #tpu.memory_space<vmem>>[vector<16xi32>, vector<16xi32>], vector<16xf32>,
        %mul3A_488 = arith.mulf %get3A_227, %gather3A_487 : vector<16xf32>
        %add3A_489 = arith.addf %add3A_329, %mul3A_488 : vector<16xf32>
        %mul3A_490 = arith.constant 16 : i32
        %mul3A_491 = arith.muli %select_n3A_66, %mul3A_490 : i32
        %add3A_492 = arith.constant 64 : i32
        %add3A_493 = arith.addi %add3A_492, %mul3A_491 : i32
        %add3A_494 = arith.constant 9 : i32
        %add3A_495 = arith.addi %add3A_493, %add3A_494 : i32
        %broadcast_in_dim3A_496 = vector.broadcast %add3A_495 : i32 to vector<16xi32>
        %gather3A_497 = tpu.vector_load_idx %arg8[%add3A_240, %broadcast_in_dim3A_496] : memref<128x192xf32, #tpu.memory_space<vmem>>[vector<16xi32>, vector<16xi32>], vector<16xf32>,
        %mul3A_498 = arith.mulf %get3A_227, %gather3A_497 : vector<16xf32>
        %add3A_499 = arith.addf %add3A_339, %mul3A_498 : vector<16xf32>
        %mul3A_500 = arith.constant 16 : i32
        %mul3A_501 = arith.muli %select_n3A_66, %mul3A_500 : i32
        %add3A_502 = arith.constant 64 : i32
        %add3A_503 = arith.addi %add3A_502, %mul3A_501 : i32
        %add3A_504 = arith.constant 10 : i32
        %add3A_505 = arith.addi %add3A_503, %add3A_504 : i32
        %broadcast_in_dim3A_506 = vector.broadcast %add3A_505 : i32 to vector<16xi32>
        %gather3A_507 = tpu.vector_load_idx %arg8[%add3A_240, %broadcast_in_dim3A_506] : memref<128x192xf32, #tpu.memory_space<vmem>>[vector<16xi32>, vector<16xi32>], vector<16xf32>,
        %mul3A_508 = arith.mulf %get3A_227, %gather3A_507 : vector<16xf32>
        %add3A_509 = arith.addf %add3A_349, %mul3A_508 : vector<16xf32>
        %mul3A_510 = arith.constant 16 : i32
        %mul3A_511 = arith.muli %select_n3A_66, %mul3A_510 : i32
        %add3A_512 = arith.constant 64 : i32
        %add3A_513 = arith.addi %add3A_512, %mul3A_511 : i32
        %add3A_514 = arith.constant 11 : i32
        %add3A_515 = arith.addi %add3A_513, %add3A_514 : i32
        %broadcast_in_dim3A_516 = vector.broadcast %add3A_515 : i32 to vector<16xi32>
        %gather3A_517 = tpu.vector_load_idx %arg8[%add3A_240, %broadcast_in_dim3A_516] : memref<128x192xf32, #tpu.memory_space<vmem>>[vector<16xi32>, vector<16xi32>], vector<16xf32>,
        %mul3A_518 = arith.mulf %get3A_227, %gather3A_517 : vector<16xf32>
        %add3A_519 = arith.addf %add3A_359, %mul3A_518 : vector<16xf32>
        %mul3A_520 = arith.constant 16 : i32
        %mul3A_521 = arith.muli %select_n3A_66, %mul3A_520 : i32
        %add3A_522 = arith.constant 64 : i32
        %add3A_523 = arith.addi %add3A_522, %mul3A_521 : i32
        %add3A_524 = arith.constant 12 : i32
        %add3A_525 = arith.addi %add3A_523, %add3A_524 : i32
        %broadcast_in_dim3A_526 = vector.broadcast %add3A_525 : i32 to vector<16xi32>
        %gather3A_527 = tpu.vector_load_idx %arg8[%add3A_240, %broadcast_in_dim3A_526] : memref<128x192xf32, #tpu.memory_space<vmem>>[vector<16xi32>, vector<16xi32>], vector<16xf32>,
        %mul3A_528 = arith.mulf %get3A_227, %gather3A_527 : vector<16xf32>
        %add3A_529 = arith.addf %add3A_369, %mul3A_528 : vector<16xf32>
        %mul3A_530 = arith.constant 16 : i32
        %mul3A_531 = arith.muli %select_n3A_66, %mul3A_530 : i32
        %add3A_532 = arith.constant 64 : i32
        %add3A_533 = arith.addi %add3A_532, %mul3A_531 : i32
        %add3A_534 = arith.constant 13 : i32
        %add3A_535 = arith.addi %add3A_533, %add3A_534 : i32
        %broadcast_in_dim3A_536 = vector.broadcast %add3A_535 : i32 to vector<16xi32>
        %gather3A_537 = tpu.vector_load_idx %arg8[%add3A_240, %broadcast_in_dim3A_536] : memref<128x192xf32, #tpu.memory_space<vmem>>[vector<16xi32>, vector<16xi32>], vector<16xf32>,
        %mul3A_538 = arith.mulf %get3A_227, %gather3A_537 : vector<16xf32>
        %add3A_539 = arith.addf %add3A_379, %mul3A_538 : vector<16xf32>
        %mul3A_540 = arith.constant 16 : i32
        %mul3A_541 = arith.muli %select_n3A_66, %mul3A_540 : i32
        %add3A_542 = arith.constant 64 : i32
        %add3A_543 = arith.addi %add3A_542, %mul3A_541 : i32
        %add3A_544 = arith.constant 14 : i32
        %add3A_545 = arith.addi %add3A_543, %add3A_544 : i32
        %broadcast_in_dim3A_546 = vector.broadcast %add3A_545 : i32 to vector<16xi32>
        %gather3A_547 = tpu.vector_load_idx %arg8[%add3A_240, %broadcast_in_dim3A_546] : memref<128x192xf32, #tpu.memory_space<vmem>>[vector<16xi32>, vector<16xi32>], vector<16xf32>,
        %mul3A_548 = arith.mulf %get3A_227, %gather3A_547 : vector<16xf32>
        %add3A_549 = arith.addf %add3A_389, %mul3A_548 : vector<16xf32>
        %mul3A_550 = arith.constant 16 : i32
        %mul3A_551 = arith.muli %select_n3A_66, %mul3A_550 : i32
        %add3A_552 = arith.constant 64 : i32
        %add3A_553 = arith.addi %add3A_552, %mul3A_551 : i32
        %add3A_554 = arith.constant 15 : i32
        %add3A_555 = arith.addi %add3A_553, %add3A_554 : i32
        %broadcast_in_dim3A_556 = vector.broadcast %add3A_555 : i32 to vector<16xi32>
        %gather3A_557 = tpu.vector_load_idx %arg8[%add3A_240, %broadcast_in_dim3A_556] : memref<128x192xf32, #tpu.memory_space<vmem>>[vector<16xi32>, vector<16xi32>], vector<16xf32>,
        %mul3A_558 = arith.mulf %get3A_227, %gather3A_557 : vector<16xf32>
        %add3A_559 = arith.addf %add3A_399, %mul3A_558 : vector<16xf32>
        %mul3A_560 = arith.constant 16 : i32
        %mul3A_561 = arith.muli %select_n3A_66, %mul3A_560 : i32
        %add3A_562 = arith.constant 128 : i32
        %add3A_563 = arith.addi %add3A_562, %mul3A_561 : i32
        %add3A_564 = arith.constant 0 : i32
        %add3A_565 = arith.addi %add3A_563, %add3A_564 : i32
        %broadcast_in_dim3A_566 = vector.broadcast %add3A_565 : i32 to vector<16xi32>
        %gather3A_567 = tpu.vector_load_idx %arg8[%add3A_240, %broadcast_in_dim3A_566] : memref<128x192xf32, #tpu.memory_space<vmem>>[vector<16xi32>, vector<16xi32>], vector<16xf32>,
        %mul3A_568 = arith.mulf %get3A_234, %gather3A_567 : vector<16xf32>
        %add3A_569 = arith.addf %add3A_409, %mul3A_568 : vector<16xf32>
        %mul3A_570 = arith.constant 16 : i32
        %mul3A_571 = arith.muli %select_n3A_66, %mul3A_570 : i32
        %add3A_572 = arith.constant 128 : i32
        %add3A_573 = arith.addi %add3A_572, %mul3A_571 : i32
        %add3A_574 = arith.constant 1 : i32
        %add3A_575 = arith.addi %add3A_573, %add3A_574 : i32
        %broadcast_in_dim3A_576 = vector.broadcast %add3A_575 : i32 to vector<16xi32>
        %gather3A_577 = tpu.vector_load_idx %arg8[%add3A_240, %broadcast_in_dim3A_576] : memref<128x192xf32, #tpu.memory_space<vmem>>[vector<16xi32>, vector<16xi32>], vector<16xf32>,
        %mul3A_578 = arith.mulf %get3A_234, %gather3A_577 : vector<16xf32>
        %add3A_579 = arith.addf %add3A_419, %mul3A_578 : vector<16xf32>
        %mul3A_580 = arith.constant 16 : i32
        %mul3A_581 = arith.muli %select_n3A_66, %mul3A_580 : i32
        %add3A_582 = arith.constant 128 : i32
        %add3A_583 = arith.addi %add3A_582, %mul3A_581 : i32
        %add3A_584 = arith.constant 2 : i32
        %add3A_585 = arith.addi %add3A_583, %add3A_584 : i32
        %broadcast_in_dim3A_586 = vector.broadcast %add3A_585 : i32 to vector<16xi32>
        %gather3A_587 = tpu.vector_load_idx %arg8[%add3A_240, %broadcast_in_dim3A_586] : memref<128x192xf32, #tpu.memory_space<vmem>>[vector<16xi32>, vector<16xi32>], vector<16xf32>,
        %mul3A_588 = arith.mulf %get3A_234, %gather3A_587 : vector<16xf32>
        %add3A_589 = arith.addf %add3A_429, %mul3A_588 : vector<16xf32>
        %mul3A_590 = arith.constant 16 : i32
        %mul3A_591 = arith.muli %select_n3A_66, %mul3A_590 : i32
        %add3A_592 = arith.constant 128 : i32
        %add3A_593 = arith.addi %add3A_592, %mul3A_591 : i32
        %add3A_594 = arith.constant 3 : i32
        %add3A_595 = arith.addi %add3A_593, %add3A_594 : i32
        %broadcast_in_dim3A_596 = vector.broadcast %add3A_595 : i32 to vector<16xi32>
        %gather3A_597 = tpu.vector_load_idx %arg8[%add3A_240, %broadcast_in_dim3A_596] : memref<128x192xf32, #tpu.memory_space<vmem>>[vector<16xi32>, vector<16xi32>], vector<16xf32>,
        %mul3A_598 = arith.mulf %get3A_234, %gather3A_597 : vector<16xf32>
        %add3A_599 = arith.addf %add3A_439, %mul3A_598 : vector<16xf32>
        %mul3A_600 = arith.constant 16 : i32
        %mul3A_601 = arith.muli %select_n3A_66, %mul3A_600 : i32
        %add3A_602 = arith.constant 128 : i32
        %add3A_603 = arith.addi %add3A_602, %mul3A_601 : i32
        %add3A_604 = arith.constant 4 : i32
        %add3A_605 = arith.addi %add3A_603, %add3A_604 : i32
        %broadcast_in_dim3A_606 = vector.broadcast %add3A_605 : i32 to vector<16xi32>
        %gather3A_607 = tpu.vector_load_idx %arg8[%add3A_240, %broadcast_in_dim3A_606] : memref<128x192xf32, #tpu.memory_space<vmem>>[vector<16xi32>, vector<16xi32>], vector<16xf32>,
        %mul3A_608 = arith.mulf %get3A_234, %gather3A_607 : vector<16xf32>
        %add3A_609 = arith.addf %add3A_449, %mul3A_608 : vector<16xf32>
        %mul3A_610 = arith.constant 16 : i32
        %mul3A_611 = arith.muli %select_n3A_66, %mul3A_610 : i32
        %add3A_612 = arith.constant 128 : i32
        %add3A_613 = arith.addi %add3A_612, %mul3A_611 : i32
        %add3A_614 = arith.constant 5 : i32
        %add3A_615 = arith.addi %add3A_613, %add3A_614 : i32
        %broadcast_in_dim3A_616 = vector.broadcast %add3A_615 : i32 to vector<16xi32>
        %gather3A_617 = tpu.vector_load_idx %arg8[%add3A_240, %broadcast_in_dim3A_616] : memref<128x192xf32, #tpu.memory_space<vmem>>[vector<16xi32>, vector<16xi32>], vector<16xf32>,
        %mul3A_618 = arith.mulf %get3A_234, %gather3A_617 : vector<16xf32>
        %add3A_619 = arith.addf %add3A_459, %mul3A_618 : vector<16xf32>
        %mul3A_620 = arith.constant 16 : i32
        %mul3A_621 = arith.muli %select_n3A_66, %mul3A_620 : i32
        %add3A_622 = arith.constant 128 : i32
        %add3A_623 = arith.addi %add3A_622, %mul3A_621 : i32
        %add3A_624 = arith.constant 6 : i32
        %add3A_625 = arith.addi %add3A_623, %add3A_624 : i32
        %broadcast_in_dim3A_626 = vector.broadcast %add3A_625 : i32 to vector<16xi32>
        %gather3A_627 = tpu.vector_load_idx %arg8[%add3A_240, %broadcast_in_dim3A_626] : memref<128x192xf32, #tpu.memory_space<vmem>>[vector<16xi32>, vector<16xi32>], vector<16xf32>,
        %mul3A_628 = arith.mulf %get3A_234, %gather3A_627 : vector<16xf32>
        %add3A_629 = arith.addf %add3A_469, %mul3A_628 : vector<16xf32>
        %mul3A_630 = arith.constant 16 : i32
        %mul3A_631 = arith.muli %select_n3A_66, %mul3A_630 : i32
        %add3A_632 = arith.constant 128 : i32
        %add3A_633 = arith.addi %add3A_632, %mul3A_631 : i32
        %add3A_634 = arith.constant 7 : i32
        %add3A_635 = arith.addi %add3A_633, %add3A_634 : i32
        %broadcast_in_dim3A_636 = vector.broadcast %add3A_635 : i32 to vector<16xi32>
        %gather3A_637 = tpu.vector_load_idx %arg8[%add3A_240, %broadcast_in_dim3A_636] : memref<128x192xf32, #tpu.memory_space<vmem>>[vector<16xi32>, vector<16xi32>], vector<16xf32>,
        %mul3A_638 = arith.mulf %get3A_234, %gather3A_637 : vector<16xf32>
        %add3A_639 = arith.addf %add3A_479, %mul3A_638 : vector<16xf32>
        %mul3A_640 = arith.constant 16 : i32
        %mul3A_641 = arith.muli %select_n3A_66, %mul3A_640 : i32
        %add3A_642 = arith.constant 128 : i32
        %add3A_643 = arith.addi %add3A_642, %mul3A_641 : i32
        %add3A_644 = arith.constant 8 : i32
        %add3A_645 = arith.addi %add3A_643, %add3A_644 : i32
        %broadcast_in_dim3A_646 = vector.broadcast %add3A_645 : i32 to vector<16xi32>
        %gather3A_647 = tpu.vector_load_idx %arg8[%add3A_240, %broadcast_in_dim3A_646] : memref<128x192xf32, #tpu.memory_space<vmem>>[vector<16xi32>, vector<16xi32>], vector<16xf32>,
        %mul3A_648 = arith.mulf %get3A_234, %gather3A_647 : vector<16xf32>
        %add3A_649 = arith.addf %add3A_489, %mul3A_648 : vector<16xf32>
        %mul3A_650 = arith.constant 16 : i32
        %mul3A_651 = arith.muli %select_n3A_66, %mul3A_650 : i32
        %add3A_652 = arith.constant 128 : i32
        %add3A_653 = arith.addi %add3A_652, %mul3A_651 : i32
        %add3A_654 = arith.constant 9 : i32
        %add3A_655 = arith.addi %add3A_653, %add3A_654 : i32
        %broadcast_in_dim3A_656 = vector.broadcast %add3A_655 : i32 to vector<16xi32>
        %gather3A_657 = tpu.vector_load_idx %arg8[%add3A_240, %broadcast_in_dim3A_656] : memref<128x192xf32, #tpu.memory_space<vmem>>[vector<16xi32>, vector<16xi32>], vector<16xf32>,
        %mul3A_658 = arith.mulf %get3A_234, %gather3A_657 : vector<16xf32>
        %add3A_659 = arith.addf %add3A_499, %mul3A_658 : vector<16xf32>
        %mul3A_660 = arith.constant 16 : i32
        %mul3A_661 = arith.muli %select_n3A_66, %mul3A_660 : i32
        %add3A_662 = arith.constant 128 : i32
        %add3A_663 = arith.addi %add3A_662, %mul3A_661 : i32
        %add3A_664 = arith.constant 10 : i32
        %add3A_665 = arith.addi %add3A_663, %add3A_664 : i32
        %broadcast_in_dim3A_666 = vector.broadcast %add3A_665 : i32 to vector<16xi32>
        %gather3A_667 = tpu.vector_load_idx %arg8[%add3A_240, %broadcast_in_dim3A_666] : memref<128x192xf32, #tpu.memory_space<vmem>>[vector<16xi32>, vector<16xi32>], vector<16xf32>,
        %mul3A_668 = arith.mulf %get3A_234, %gather3A_667 : vector<16xf32>
        %add3A_669 = arith.addf %add3A_509, %mul3A_668 : vector<16xf32>
        %mul3A_670 = arith.constant 16 : i32
        %mul3A_671 = arith.muli %select_n3A_66, %mul3A_670 : i32
        %add3A_672 = arith.constant 128 : i32
        %add3A_673 = arith.addi %add3A_672, %mul3A_671 : i32
        %add3A_674 = arith.constant 11 : i32
        %add3A_675 = arith.addi %add3A_673, %add3A_674 : i32
        %broadcast_in_dim3A_676 = vector.broadcast %add3A_675 : i32 to vector<16xi32>
        %gather3A_677 = tpu.vector_load_idx %arg8[%add3A_240, %broadcast_in_dim3A_676] : memref<128x192xf32, #tpu.memory_space<vmem>>[vector<16xi32>, vector<16xi32>], vector<16xf32>,
        %mul3A_678 = arith.mulf %get3A_234, %gather3A_677 : vector<16xf32>
        %add3A_679 = arith.addf %add3A_519, %mul3A_678 : vector<16xf32>
        %mul3A_680 = arith.constant 16 : i32
        %mul3A_681 = arith.muli %select_n3A_66, %mul3A_680 : i32
        %add3A_682 = arith.constant 128 : i32
        %add3A_683 = arith.addi %add3A_682, %mul3A_681 : i32
        %add3A_684 = arith.constant 12 : i32
        %add3A_685 = arith.addi %add3A_683, %add3A_684 : i32
        %broadcast_in_dim3A_686 = vector.broadcast %add3A_685 : i32 to vector<16xi32>
        %gather3A_687 = tpu.vector_load_idx %arg8[%add3A_240, %broadcast_in_dim3A_686] : memref<128x192xf32, #tpu.memory_space<vmem>>[vector<16xi32>, vector<16xi32>], vector<16xf32>,
        %mul3A_688 = arith.mulf %get3A_234, %gather3A_687 : vector<16xf32>
        %add3A_689 = arith.addf %add3A_529, %mul3A_688 : vector<16xf32>
        %mul3A_690 = arith.constant 16 : i32
        %mul3A_691 = arith.muli %select_n3A_66, %mul3A_690 : i32
        %add3A_692 = arith.constant 128 : i32
        %add3A_693 = arith.addi %add3A_692, %mul3A_691 : i32
        %add3A_694 = arith.constant 13 : i32
        %add3A_695 = arith.addi %add3A_693, %add3A_694 : i32
        %broadcast_in_dim3A_696 = vector.broadcast %add3A_695 : i32 to vector<16xi32>
        %gather3A_697 = tpu.vector_load_idx %arg8[%add3A_240, %broadcast_in_dim3A_696] : memref<128x192xf32, #tpu.memory_space<vmem>>[vector<16xi32>, vector<16xi32>], vector<16xf32>,
        %mul3A_698 = arith.mulf %get3A_234, %gather3A_697 : vector<16xf32>
        %add3A_699 = arith.addf %add3A_539, %mul3A_698 : vector<16xf32>
        %mul3A_700 = arith.constant 16 : i32
        %mul3A_701 = arith.muli %select_n3A_66, %mul3A_700 : i32
        %add3A_702 = arith.constant 128 : i32
        %add3A_703 = arith.addi %add3A_702, %mul3A_701 : i32
        %add3A_704 = arith.constant 14 : i32
        %add3A_705 = arith.addi %add3A_703, %add3A_704 : i32
        %broadcast_in_dim3A_706 = vector.broadcast %add3A_705 : i32 to vector<16xi32>
        %gather3A_707 = tpu.vector_load_idx %arg8[%add3A_240, %broadcast_in_dim3A_706] : memref<128x192xf32, #tpu.memory_space<vmem>>[vector<16xi32>, vector<16xi32>], vector<16xf32>,
        %mul3A_708 = arith.mulf %get3A_234, %gather3A_707 : vector<16xf32>
        %add3A_709 = arith.addf %add3A_549, %mul3A_708 : vector<16xf32>
        %mul3A_710 = arith.constant 16 : i32
        %mul3A_711 = arith.muli %select_n3A_66, %mul3A_710 : i32
        %add3A_712 = arith.constant 128 : i32
        %add3A_713 = arith.addi %add3A_712, %mul3A_711 : i32
        %add3A_714 = arith.constant 15 : i32
        %add3A_715 = arith.addi %add3A_713, %add3A_714 : i32
        %broadcast_in_dim3A_716 = vector.broadcast %add3A_715 : i32 to vector<16xi32>
        %gather3A_717 = tpu.vector_load_idx %arg8[%add3A_240, %broadcast_in_dim3A_716] : memref<128x192xf32, #tpu.memory_space<vmem>>[vector<16xi32>, vector<16xi32>], vector<16xf32>,
        %mul3A_718 = arith.mulf %get3A_234, %gather3A_717 : vector<16xf32>
        %add3A_719 = arith.addf %add3A_559, %mul3A_718 : vector<16xf32>
        %mul3A_720 = arith.constant 2 : i32
        %mul3A_721 = arith.muli %scan3A_19, %mul3A_720 : i32
        %add3A_722 = arith.constant 1 : i32
        %add3A_723 = arith.addi %mul3A_721, %add3A_722 : i32
        %mul3A_724 = arith.constant 16 : i32
        %mul3A_725 = arith.muli %select_n3A, %mul3A_724 : i32
        %get3A_726 = arith.constant 0 : i32
        %get3A_727 = arith.index_cast %get3A_726 : i32 to index
        %get3A_728 = arith.index_cast %add3A_723 : i32 to index
        %get3A_729 = arith.index_cast %mul3A_725 : i32 to index
        %get3A_730 = tpu.vector_load %arg7[%get3A_727, %get3A_728, %get3A_729] {strides = array<i32>} : memref<3x64x64xf32, #tpu.memory_space<vmem>>, vector<16xf32>,
        %mul3A_731 = arith.constant 16 : i32
        %mul3A_732 = arith.muli %select_n3A, %mul3A_731 : i32
        %get3A_733 = arith.constant 1 : i32
        %get3A_734 = arith.index_cast %get3A_733 : i32 to index
        %get3A_735 = arith.index_cast %add3A_723 : i32 to index
        %get3A_736 = arith.index_cast %mul3A_732 : i32 to index
        %get3A_737 = tpu.vector_load %arg7[%get3A_734, %get3A_735, %get3A_736] {strides = array<i32>} : memref<3x64x64xf32, #tpu.memory_space<vmem>>, vector<16xf32>,
        %mul3A_738 = arith.constant 16 : i32
        %mul3A_739 = arith.muli %select_n3A, %mul3A_738 : i32
        %get3A_740 = arith.constant 2 : i32
        %get3A_741 = arith.index_cast %get3A_740 : i32 to index
        %get3A_742 = arith.index_cast %add3A_723 : i32 to index
        %get3A_743 = arith.index_cast %mul3A_739 : i32 to index
        %get3A_744 = tpu.vector_load %arg7[%get3A_741, %get3A_742, %get3A_743] {strides = array<i32>} : memref<3x64x64xf32, #tpu.memory_space<vmem>>, vector<16xf32>,
        %mul3A_745 = arith.constant 16 : i32
        %mul3A_746 = arith.muli %select_n3A, %mul3A_745 : i32
        %add3A_747 = arith.constant 64 : i32
        %add3A_748 = arith.addi %add3A_747, %mul3A_746 : i32
        %add3A_749 = vector.broadcast %add3A_748 : i32 to vector<16xi32>
        %add3A_750 = arith.addi %iota3A, %add3A_749 : vector<16xi32>
        %mul3A_751 = arith.constant 16 : i32
        %mul3A_752 = arith.muli %select_n3A_66, %mul3A_751 : i32
        %add3A_753 = arith.constant 0 : i32
        %add3A_754 = arith.addi %add3A_753, %mul3A_752 : i32
        %add3A_755 = arith.constant 0 : i32
        %add3A_756 = arith.addi %add3A_754, %add3A_755 : i32
        %broadcast_in_dim3A_757 = vector.broadcast %add3A_756 : i32 to vector<16xi32>
        %gather3A_758 = tpu.vector_load_idx %arg8[%add3A_750, %broadcast_in_dim3A_757] : memref<128x192xf32, #tpu.memory_space<vmem>>[vector<16xi32>, vector<16xi32>], vector<16xf32>,
        %mul3A_759 = arith.mulf %get3A_730, %gather3A_758 : vector<16xf32>
        %add3A_760 = arith.addf %add3A_569, %mul3A_759 : vector<16xf32>
        %mul3A_761 = arith.constant 16 : i32
        %mul3A_762 = arith.muli %select_n3A_66, %mul3A_761 : i32
        %add3A_763 = arith.constant 0 : i32
        %add3A_764 = arith.addi %add3A_763, %mul3A_762 : i32
        %add3A_765 = arith.constant 1 : i32
        %add3A_766 = arith.addi %add3A_764, %add3A_765 : i32
        %broadcast_in_dim3A_767 = vector.broadcast %add3A_766 : i32 to vector<16xi32>
        %gather3A_768 = tpu.vector_load_idx %arg8[%add3A_750, %broadcast_in_dim3A_767] : memref<128x192xf32, #tpu.memory_space<vmem>>[vector<16xi32>, vector<16xi32>], vector<16xf32>,
        %mul3A_769 = arith.mulf %get3A_730, %gather3A_768 : vector<16xf32>
        %add3A_770 = arith.addf %add3A_579, %mul3A_769 : vector<16xf32>
        %mul3A_771 = arith.constant 16 : i32
        %mul3A_772 = arith.muli %select_n3A_66, %mul3A_771 : i32
        %add3A_773 = arith.constant 0 : i32
        %add3A_774 = arith.addi %add3A_773, %mul3A_772 : i32
        %add3A_775 = arith.constant 2 : i32
        %add3A_776 = arith.addi %add3A_774, %add3A_775 : i32
        %broadcast_in_dim3A_777 = vector.broadcast %add3A_776 : i32 to vector<16xi32>
        %gather3A_778 = tpu.vector_load_idx %arg8[%add3A_750, %broadcast_in_dim3A_777] : memref<128x192xf32, #tpu.memory_space<vmem>>[vector<16xi32>, vector<16xi32>], vector<16xf32>,
        %mul3A_779 = arith.mulf %get3A_730, %gather3A_778 : vector<16xf32>
        %add3A_780 = arith.addf %add3A_589, %mul3A_779 : vector<16xf32>
        %mul3A_781 = arith.constant 16 : i32
        %mul3A_782 = arith.muli %select_n3A_66, %mul3A_781 : i32
        %add3A_783 = arith.constant 0 : i32
        %add3A_784 = arith.addi %add3A_783, %mul3A_782 : i32
        %add3A_785 = arith.constant 3 : i32
        %add3A_786 = arith.addi %add3A_784, %add3A_785 : i32
        %broadcast_in_dim3A_787 = vector.broadcast %add3A_786 : i32 to vector<16xi32>
        %gather3A_788 = tpu.vector_load_idx %arg8[%add3A_750, %broadcast_in_dim3A_787] : memref<128x192xf32, #tpu.memory_space<vmem>>[vector<16xi32>, vector<16xi32>], vector<16xf32>,
        %mul3A_789 = arith.mulf %get3A_730, %gather3A_788 : vector<16xf32>
        %add3A_790 = arith.addf %add3A_599, %mul3A_789 : vector<16xf32>
        %mul3A_791 = arith.constant 16 : i32
        %mul3A_792 = arith.muli %select_n3A_66, %mul3A_791 : i32
        %add3A_793 = arith.constant 0 : i32
        %add3A_794 = arith.addi %add3A_793, %mul3A_792 : i32
        %add3A_795 = arith.constant 4 : i32
        %add3A_796 = arith.addi %add3A_794, %add3A_795 : i32
        %broadcast_in_dim3A_797 = vector.broadcast %add3A_796 : i32 to vector<16xi32>
        %gather3A_798 = tpu.vector_load_idx %arg8[%add3A_750, %broadcast_in_dim3A_797] : memref<128x192xf32, #tpu.memory_space<vmem>>[vector<16xi32>, vector<16xi32>], vector<16xf32>,
        %mul3A_799 = arith.mulf %get3A_730, %gather3A_798 : vector<16xf32>
        %add3A_800 = arith.addf %add3A_609, %mul3A_799 : vector<16xf32>
        %mul3A_801 = arith.constant 16 : i32
        %mul3A_802 = arith.muli %select_n3A_66, %mul3A_801 : i32
        %add3A_803 = arith.constant 0 : i32
        %add3A_804 = arith.addi %add3A_803, %mul3A_802 : i32
        %add3A_805 = arith.constant 5 : i32
        %add3A_806 = arith.addi %add3A_804, %add3A_805 : i32
        %broadcast_in_dim3A_807 = vector.broadcast %add3A_806 : i32 to vector<16xi32>
        %gather3A_808 = tpu.vector_load_idx %arg8[%add3A_750, %broadcast_in_dim3A_807] : memref<128x192xf32, #tpu.memory_space<vmem>>[vector<16xi32>, vector<16xi32>], vector<16xf32>,
        %mul3A_809 = arith.mulf %get3A_730, %gather3A_808 : vector<16xf32>
        %add3A_810 = arith.addf %add3A_619, %mul3A_809 : vector<16xf32>
        %mul3A_811 = arith.constant 16 : i32
        %mul3A_812 = arith.muli %select_n3A_66, %mul3A_811 : i32
        %add3A_813 = arith.constant 0 : i32
        %add3A_814 = arith.addi %add3A_813, %mul3A_812 : i32
        %add3A_815 = arith.constant 6 : i32
        %add3A_816 = arith.addi %add3A_814, %add3A_815 : i32
        %broadcast_in_dim3A_817 = vector.broadcast %add3A_816 : i32 to vector<16xi32>
        %gather3A_818 = tpu.vector_load_idx %arg8[%add3A_750, %broadcast_in_dim3A_817] : memref<128x192xf32, #tpu.memory_space<vmem>>[vector<16xi32>, vector<16xi32>], vector<16xf32>,
        %mul3A_819 = arith.mulf %get3A_730, %gather3A_818 : vector<16xf32>
        %add3A_820 = arith.addf %add3A_629, %mul3A_819 : vector<16xf32>
        %mul3A_821 = arith.constant 16 : i32
        %mul3A_822 = arith.muli %select_n3A_66, %mul3A_821 : i32
        %add3A_823 = arith.constant 0 : i32
        %add3A_824 = arith.addi %add3A_823, %mul3A_822 : i32
        %add3A_825 = arith.constant 7 : i32
        %add3A_826 = arith.addi %add3A_824, %add3A_825 : i32
        %broadcast_in_dim3A_827 = vector.broadcast %add3A_826 : i32 to vector<16xi32>
        %gather3A_828 = tpu.vector_load_idx %arg8[%add3A_750, %broadcast_in_dim3A_827] : memref<128x192xf32, #tpu.memory_space<vmem>>[vector<16xi32>, vector<16xi32>], vector<16xf32>,
        %mul3A_829 = arith.mulf %get3A_730, %gather3A_828 : vector<16xf32>
        %add3A_830 = arith.addf %add3A_639, %mul3A_829 : vector<16xf32>
        %mul3A_831 = arith.constant 16 : i32
        %mul3A_832 = arith.muli %select_n3A_66, %mul3A_831 : i32
        %add3A_833 = arith.constant 0 : i32
        %add3A_834 = arith.addi %add3A_833, %mul3A_832 : i32
        %add3A_835 = arith.constant 8 : i32
        %add3A_836 = arith.addi %add3A_834, %add3A_835 : i32
        %broadcast_in_dim3A_837 = vector.broadcast %add3A_836 : i32 to vector<16xi32>
        %gather3A_838 = tpu.vector_load_idx %arg8[%add3A_750, %broadcast_in_dim3A_837] : memref<128x192xf32, #tpu.memory_space<vmem>>[vector<16xi32>, vector<16xi32>], vector<16xf32>,
        %mul3A_839 = arith.mulf %get3A_730, %gather3A_838 : vector<16xf32>
        %add3A_840 = arith.addf %add3A_649, %mul3A_839 : vector<16xf32>
        %mul3A_841 = arith.constant 16 : i32
        %mul3A_842 = arith.muli %select_n3A_66, %mul3A_841 : i32
        %add3A_843 = arith.constant 0 : i32
        %add3A_844 = arith.addi %add3A_843, %mul3A_842 : i32
        %add3A_845 = arith.constant 9 : i32
        %add3A_846 = arith.addi %add3A_844, %add3A_845 : i32
        %broadcast_in_dim3A_847 = vector.broadcast %add3A_846 : i32 to vector<16xi32>
        %gather3A_848 = tpu.vector_load_idx %arg8[%add3A_750, %broadcast_in_dim3A_847] : memref<128x192xf32, #tpu.memory_space<vmem>>[vector<16xi32>, vector<16xi32>], vector<16xf32>,
        %mul3A_849 = arith.mulf %get3A_730, %gather3A_848 : vector<16xf32>
        %add3A_850 = arith.addf %add3A_659, %mul3A_849 : vector<16xf32>
        %mul3A_851 = arith.constant 16 : i32
        %mul3A_852 = arith.muli %select_n3A_66, %mul3A_851 : i32
        %add3A_853 = arith.constant 0 : i32
        %add3A_854 = arith.addi %add3A_853, %mul3A_852 : i32
        %add3A_855 = arith.constant 10 : i32
        %add3A_856 = arith.addi %add3A_854, %add3A_855 : i32
        %broadcast_in_dim3A_857 = vector.broadcast %add3A_856 : i32 to vector<16xi32>
        %gather3A_858 = tpu.vector_load_idx %arg8[%add3A_750, %broadcast_in_dim3A_857] : memref<128x192xf32, #tpu.memory_space<vmem>>[vector<16xi32>, vector<16xi32>], vector<16xf32>,
        %mul3A_859 = arith.mulf %get3A_730, %gather3A_858 : vector<16xf32>
        %add3A_860 = arith.addf %add3A_669, %mul3A_859 : vector<16xf32>
        %mul3A_861 = arith.constant 16 : i32
        %mul3A_862 = arith.muli %select_n3A_66, %mul3A_861 : i32
        %add3A_863 = arith.constant 0 : i32
        %add3A_864 = arith.addi %add3A_863, %mul3A_862 : i32
        %add3A_865 = arith.constant 11 : i32
        %add3A_866 = arith.addi %add3A_864, %add3A_865 : i32
        %broadcast_in_dim3A_867 = vector.broadcast %add3A_866 : i32 to vector<16xi32>
        %gather3A_868 = tpu.vector_load_idx %arg8[%add3A_750, %broadcast_in_dim3A_867] : memref<128x192xf32, #tpu.memory_space<vmem>>[vector<16xi32>, vector<16xi32>], vector<16xf32>,
        %mul3A_869 = arith.mulf %get3A_730, %gather3A_868 : vector<16xf32>
        %add3A_870 = arith.addf %add3A_679, %mul3A_869 : vector<16xf32>
        %mul3A_871 = arith.constant 16 : i32
        %mul3A_872 = arith.muli %select_n3A_66, %mul3A_871 : i32
        %add3A_873 = arith.constant 0 : i32
        %add3A_874 = arith.addi %add3A_873, %mul3A_872 : i32
        %add3A_875 = arith.constant 12 : i32
        %add3A_876 = arith.addi %add3A_874, %add3A_875 : i32
        %broadcast_in_dim3A_877 = vector.broadcast %add3A_876 : i32 to vector<16xi32>
        %gather3A_878 = tpu.vector_load_idx %arg8[%add3A_750, %broadcast_in_dim3A_877] : memref<128x192xf32, #tpu.memory_space<vmem>>[vector<16xi32>, vector<16xi32>], vector<16xf32>,
        %mul3A_879 = arith.mulf %get3A_730, %gather3A_878 : vector<16xf32>
        %add3A_880 = arith.addf %add3A_689, %mul3A_879 : vector<16xf32>
        %mul3A_881 = arith.constant 16 : i32
        %mul3A_882 = arith.muli %select_n3A_66, %mul3A_881 : i32
        %add3A_883 = arith.constant 0 : i32
        %add3A_884 = arith.addi %add3A_883, %mul3A_882 : i32
        %add3A_885 = arith.constant 13 : i32
        %add3A_886 = arith.addi %add3A_884, %add3A_885 : i32
        %broadcast_in_dim3A_887 = vector.broadcast %add3A_886 : i32 to vector<16xi32>
        %gather3A_888 = tpu.vector_load_idx %arg8[%add3A_750, %broadcast_in_dim3A_887] : memref<128x192xf32, #tpu.memory_space<vmem>>[vector<16xi32>, vector<16xi32>], vector<16xf32>,
        %mul3A_889 = arith.mulf %get3A_730, %gather3A_888 : vector<16xf32>
        %add3A_890 = arith.addf %add3A_699, %mul3A_889 : vector<16xf32>
        %mul3A_891 = arith.constant 16 : i32
        %mul3A_892 = arith.muli %select_n3A_66, %mul3A_891 : i32
        %add3A_893 = arith.constant 0 : i32
        %add3A_894 = arith.addi %add3A_893, %mul3A_892 : i32
        %add3A_895 = arith.constant 14 : i32
        %add3A_896 = arith.addi %add3A_894, %add3A_895 : i32
        %broadcast_in_dim3A_897 = vector.broadcast %add3A_896 : i32 to vector<16xi32>
        %gather3A_898 = tpu.vector_load_idx %arg8[%add3A_750, %broadcast_in_dim3A_897] : memref<128x192xf32, #tpu.memory_space<vmem>>[vector<16xi32>, vector<16xi32>], vector<16xf32>,
        %mul3A_899 = arith.mulf %get3A_730, %gather3A_898 : vector<16xf32>
        %add3A_900 = arith.addf %add3A_709, %mul3A_899 : vector<16xf32>
        %mul3A_901 = arith.constant 16 : i32
        %mul3A_902 = arith.muli %select_n3A_66, %mul3A_901 : i32
        %add3A_903 = arith.constant 0 : i32
        %add3A_904 = arith.addi %add3A_903, %mul3A_902 : i32
        %add3A_905 = arith.constant 15 : i32
        %add3A_906 = arith.addi %add3A_904, %add3A_905 : i32
        %broadcast_in_dim3A_907 = vector.broadcast %add3A_906 : i32 to vector<16xi32>
        %gather3A_908 = tpu.vector_load_idx %arg8[%add3A_750, %broadcast_in_dim3A_907] : memref<128x192xf32, #tpu.memory_space<vmem>>[vector<16xi32>, vector<16xi32>], vector<16xf32>,
        %mul3A_909 = arith.mulf %get3A_730, %gather3A_908 : vector<16xf32>
        %add3A_910 = arith.addf %add3A_719, %mul3A_909 : vector<16xf32>
        %mul3A_911 = arith.constant 16 : i32
        %mul3A_912 = arith.muli %select_n3A_66, %mul3A_911 : i32
        %add3A_913 = arith.constant 64 : i32
        %add3A_914 = arith.addi %add3A_913, %mul3A_912 : i32
        %add3A_915 = arith.constant 0 : i32
        %add3A_916 = arith.addi %add3A_914, %add3A_915 : i32
        %broadcast_in_dim3A_917 = vector.broadcast %add3A_916 : i32 to vector<16xi32>
        %gather3A_918 = tpu.vector_load_idx %arg8[%add3A_750, %broadcast_in_dim3A_917] : memref<128x192xf32, #tpu.memory_space<vmem>>[vector<16xi32>, vector<16xi32>], vector<16xf32>,
        %mul3A_919 = arith.mulf %get3A_737, %gather3A_918 : vector<16xf32>
        %add3A_920 = arith.addf %add3A_760, %mul3A_919 : vector<16xf32>
        %mul3A_921 = arith.constant 16 : i32
        %mul3A_922 = arith.muli %select_n3A_66, %mul3A_921 : i32
        %add3A_923 = arith.constant 64 : i32
        %add3A_924 = arith.addi %add3A_923, %mul3A_922 : i32
        %add3A_925 = arith.constant 1 : i32
        %add3A_926 = arith.addi %add3A_924, %add3A_925 : i32
        %broadcast_in_dim3A_927 = vector.broadcast %add3A_926 : i32 to vector<16xi32>
        %gather3A_928 = tpu.vector_load_idx %arg8[%add3A_750, %broadcast_in_dim3A_927] : memref<128x192xf32, #tpu.memory_space<vmem>>[vector<16xi32>, vector<16xi32>], vector<16xf32>,
        %mul3A_929 = arith.mulf %get3A_737, %gather3A_928 : vector<16xf32>
        %add3A_930 = arith.addf %add3A_770, %mul3A_929 : vector<16xf32>
        %mul3A_931 = arith.constant 16 : i32
        %mul3A_932 = arith.muli %select_n3A_66, %mul3A_931 : i32
        %add3A_933 = arith.constant 64 : i32
        %add3A_934 = arith.addi %add3A_933, %mul3A_932 : i32
        %add3A_935 = arith.constant 2 : i32
        %add3A_936 = arith.addi %add3A_934, %add3A_935 : i32
        %broadcast_in_dim3A_937 = vector.broadcast %add3A_936 : i32 to vector<16xi32>
        %gather3A_938 = tpu.vector_load_idx %arg8[%add3A_750, %broadcast_in_dim3A_937] : memref<128x192xf32, #tpu.memory_space<vmem>>[vector<16xi32>, vector<16xi32>], vector<16xf32>,
        %mul3A_939 = arith.mulf %get3A_737, %gather3A_938 : vector<16xf32>
        %add3A_940 = arith.addf %add3A_780, %mul3A_939 : vector<16xf32>
        %mul3A_941 = arith.constant 16 : i32
        %mul3A_942 = arith.muli %select_n3A_66, %mul3A_941 : i32
        %add3A_943 = arith.constant 64 : i32
        %add3A_944 = arith.addi %add3A_943, %mul3A_942 : i32
        %add3A_945 = arith.constant 3 : i32
        %add3A_946 = arith.addi %add3A_944, %add3A_945 : i32
        %broadcast_in_dim3A_947 = vector.broadcast %add3A_946 : i32 to vector<16xi32>
        %gather3A_948 = tpu.vector_load_idx %arg8[%add3A_750, %broadcast_in_dim3A_947] : memref<128x192xf32, #tpu.memory_space<vmem>>[vector<16xi32>, vector<16xi32>], vector<16xf32>,
        %mul3A_949 = arith.mulf %get3A_737, %gather3A_948 : vector<16xf32>
        %add3A_950 = arith.addf %add3A_790, %mul3A_949 : vector<16xf32>
        %mul3A_951 = arith.constant 16 : i32
        %mul3A_952 = arith.muli %select_n3A_66, %mul3A_951 : i32
        %add3A_953 = arith.constant 64 : i32
        %add3A_954 = arith.addi %add3A_953, %mul3A_952 : i32
        %add3A_955 = arith.constant 4 : i32
        %add3A_956 = arith.addi %add3A_954, %add3A_955 : i32
        %broadcast_in_dim3A_957 = vector.broadcast %add3A_956 : i32 to vector<16xi32>
        %gather3A_958 = tpu.vector_load_idx %arg8[%add3A_750, %broadcast_in_dim3A_957] : memref<128x192xf32, #tpu.memory_space<vmem>>[vector<16xi32>, vector<16xi32>], vector<16xf32>,
        %mul3A_959 = arith.mulf %get3A_737, %gather3A_958 : vector<16xf32>
        %add3A_960 = arith.addf %add3A_800, %mul3A_959 : vector<16xf32>
        %mul3A_961 = arith.constant 16 : i32
        %mul3A_962 = arith.muli %select_n3A_66, %mul3A_961 : i32
        %add3A_963 = arith.constant 64 : i32
        %add3A_964 = arith.addi %add3A_963, %mul3A_962 : i32
        %add3A_965 = arith.constant 5 : i32
        %add3A_966 = arith.addi %add3A_964, %add3A_965 : i32
        %broadcast_in_dim3A_967 = vector.broadcast %add3A_966 : i32 to vector<16xi32>
        %gather3A_968 = tpu.vector_load_idx %arg8[%add3A_750, %broadcast_in_dim3A_967] : memref<128x192xf32, #tpu.memory_space<vmem>>[vector<16xi32>, vector<16xi32>], vector<16xf32>,
        %mul3A_969 = arith.mulf %get3A_737, %gather3A_968 : vector<16xf32>
        %add3A_970 = arith.addf %add3A_810, %mul3A_969 : vector<16xf32>
        %mul3A_971 = arith.constant 16 : i32
        %mul3A_972 = arith.muli %select_n3A_66, %mul3A_971 : i32
        %add3A_973 = arith.constant 64 : i32
        %add3A_974 = arith.addi %add3A_973, %mul3A_972 : i32
        %add3A_975 = arith.constant 6 : i32
        %add3A_976 = arith.addi %add3A_974, %add3A_975 : i32
        %broadcast_in_dim3A_977 = vector.broadcast %add3A_976 : i32 to vector<16xi32>
        %gather3A_978 = tpu.vector_load_idx %arg8[%add3A_750, %broadcast_in_dim3A_977] : memref<128x192xf32, #tpu.memory_space<vmem>>[vector<16xi32>, vector<16xi32>], vector<16xf32>,
        %mul3A_979 = arith.mulf %get3A_737, %gather3A_978 : vector<16xf32>
        %add3A_980 = arith.addf %add3A_820, %mul3A_979 : vector<16xf32>
        %mul3A_981 = arith.constant 16 : i32
        %mul3A_982 = arith.muli %select_n3A_66, %mul3A_981 : i32
        %add3A_983 = arith.constant 64 : i32
        %add3A_984 = arith.addi %add3A_983, %mul3A_982 : i32
        %add3A_985 = arith.constant 7 : i32
        %add3A_986 = arith.addi %add3A_984, %add3A_985 : i32
        %broadcast_in_dim3A_987 = vector.broadcast %add3A_986 : i32 to vector<16xi32>
        %gather3A_988 = tpu.vector_load_idx %arg8[%add3A_750, %broadcast_in_dim3A_987] : memref<128x192xf32, #tpu.memory_space<vmem>>[vector<16xi32>, vector<16xi32>], vector<16xf32>,
        %mul3A_989 = arith.mulf %get3A_737, %gather3A_988 : vector<16xf32>
        %add3A_990 = arith.addf %add3A_830, %mul3A_989 : vector<16xf32>
        %mul3A_991 = arith.constant 16 : i32
        %mul3A_992 = arith.muli %select_n3A_66, %mul3A_991 : i32
        %add3A_993 = arith.constant 64 : i32
        %add3A_994 = arith.addi %add3A_993, %mul3A_992 : i32
        %add3A_995 = arith.constant 8 : i32
        %add3A_996 = arith.addi %add3A_994, %add3A_995 : i32
        %broadcast_in_dim3A_997 = vector.broadcast %add3A_996 : i32 to vector<16xi32>
        %gather3A_998 = tpu.vector_load_idx %arg8[%add3A_750, %broadcast_in_dim3A_997] : memref<128x192xf32, #tpu.memory_space<vmem>>[vector<16xi32>, vector<16xi32>], vector<16xf32>,
        %mul3A_999 = arith.mulf %get3A_737, %gather3A_998 : vector<16xf32>
        %add3A_1000 = arith.addf %add3A_840, %mul3A_999 : vector<16xf32>
        %mul3A_1001 = arith.constant 16 : i32
        %mul3A_1002 = arith.muli %select_n3A_66, %mul3A_1001 : i32
        %add3A_1003 = arith.constant 64 : i32
        %add3A_1004 = arith.addi %add3A_1003, %mul3A_1002 : i32
        %add3A_1005 = arith.constant 9 : i32
        %add3A_1006 = arith.addi %add3A_1004, %add3A_1005 : i32
        %broadcast_in_dim3A_1007 = vector.broadcast %add3A_1006 : i32 to vector<16xi32>
        %gather3A_1008 = tpu.vector_load_idx %arg8[%add3A_750, %broadcast_in_dim3A_1007] : memref<128x192xf32, #tpu.memory_space<vmem>>[vector<16xi32>, vector<16xi32>], vector<16xf32>,
        %mul3A_1009 = arith.mulf %get3A_737, %gather3A_1008 : vector<16xf32>
        %add3A_1010 = arith.addf %add3A_850, %mul3A_1009 : vector<16xf32>
        %mul3A_1011 = arith.constant 16 : i32
        %mul3A_1012 = arith.muli %select_n3A_66, %mul3A_1011 : i32
        %add3A_1013 = arith.constant 64 : i32
        %add3A_1014 = arith.addi %add3A_1013, %mul3A_1012 : i32
        %add3A_1015 = arith.constant 10 : i32
        %add3A_1016 = arith.addi %add3A_1014, %add3A_1015 : i32
        %broadcast_in_dim3A_1017 = vector.broadcast %add3A_1016 : i32 to vector<16xi32>
        %gather3A_1018 = tpu.vector_load_idx %arg8[%add3A_750, %broadcast_in_dim3A_1017] : memref<128x192xf32, #tpu.memory_space<vmem>>[vector<16xi32>, vector<16xi32>], vector<16xf32>,
        %mul3A_1019 = arith.mulf %get3A_737, %gather3A_1018 : vector<16xf32>
        %add3A_1020 = arith.addf %add3A_860, %mul3A_1019 : vector<16xf32>
        %mul3A_1021 = arith.constant 16 : i32
        %mul3A_1022 = arith.muli %select_n3A_66, %mul3A_1021 : i32
        %add3A_1023 = arith.constant 64 : i32
        %add3A_1024 = arith.addi %add3A_1023, %mul3A_1022 : i32
        %add3A_1025 = arith.constant 11 : i32
        %add3A_1026 = arith.addi %add3A_1024, %add3A_1025 : i32
        %broadcast_in_dim3A_1027 = vector.broadcast %add3A_1026 : i32 to vector<16xi32>
        %gather3A_1028 = tpu.vector_load_idx %arg8[%add3A_750, %broadcast_in_dim3A_1027] : memref<128x192xf32, #tpu.memory_space<vmem>>[vector<16xi32>, vector<16xi32>], vector<16xf32>,
        %mul3A_1029 = arith.mulf %get3A_737, %gather3A_1028 : vector<16xf32>
        %add3A_1030 = arith.addf %add3A_870, %mul3A_1029 : vector<16xf32>
        %mul3A_1031 = arith.constant 16 : i32
        %mul3A_1032 = arith.muli %select_n3A_66, %mul3A_1031 : i32
        %add3A_1033 = arith.constant 64 : i32
        %add3A_1034 = arith.addi %add3A_1033, %mul3A_1032 : i32
        %add3A_1035 = arith.constant 12 : i32
        %add3A_1036 = arith.addi %add3A_1034, %add3A_1035 : i32
        %broadcast_in_dim3A_1037 = vector.broadcast %add3A_1036 : i32 to vector<16xi32>
        %gather3A_1038 = tpu.vector_load_idx %arg8[%add3A_750, %broadcast_in_dim3A_1037] : memref<128x192xf32, #tpu.memory_space<vmem>>[vector<16xi32>, vector<16xi32>], vector<16xf32>,
        %mul3A_1039 = arith.mulf %get3A_737, %gather3A_1038 : vector<16xf32>
        %add3A_1040 = arith.addf %add3A_880, %mul3A_1039 : vector<16xf32>
        %mul3A_1041 = arith.constant 16 : i32
        %mul3A_1042 = arith.muli %select_n3A_66, %mul3A_1041 : i32
        %add3A_1043 = arith.constant 64 : i32
        %add3A_1044 = arith.addi %add3A_1043, %mul3A_1042 : i32
        %add3A_1045 = arith.constant 13 : i32
        %add3A_1046 = arith.addi %add3A_1044, %add3A_1045 : i32
        %broadcast_in_dim3A_1047 = vector.broadcast %add3A_1046 : i32 to vector<16xi32>
        %gather3A_1048 = tpu.vector_load_idx %arg8[%add3A_750, %broadcast_in_dim3A_1047] : memref<128x192xf32, #tpu.memory_space<vmem>>[vector<16xi32>, vector<16xi32>], vector<16xf32>,
        %mul3A_1049 = arith.mulf %get3A_737, %gather3A_1048 : vector<16xf32>
        %add3A_1050 = arith.addf %add3A_890, %mul3A_1049 : vector<16xf32>
        %mul3A_1051 = arith.constant 16 : i32
        %mul3A_1052 = arith.muli %select_n3A_66, %mul3A_1051 : i32
        %add3A_1053 = arith.constant 64 : i32
        %add3A_1054 = arith.addi %add3A_1053, %mul3A_1052 : i32
        %add3A_1055 = arith.constant 14 : i32
        %add3A_1056 = arith.addi %add3A_1054, %add3A_1055 : i32
        %broadcast_in_dim3A_1057 = vector.broadcast %add3A_1056 : i32 to vector<16xi32>
        %gather3A_1058 = tpu.vector_load_idx %arg8[%add3A_750, %broadcast_in_dim3A_1057] : memref<128x192xf32, #tpu.memory_space<vmem>>[vector<16xi32>, vector<16xi32>], vector<16xf32>,
        %mul3A_1059 = arith.mulf %get3A_737, %gather3A_1058 : vector<16xf32>
        %add3A_1060 = arith.addf %add3A_900, %mul3A_1059 : vector<16xf32>
        %mul3A_1061 = arith.constant 16 : i32
        %mul3A_1062 = arith.muli %select_n3A_66, %mul3A_1061 : i32
        %add3A_1063 = arith.constant 64 : i32
        %add3A_1064 = arith.addi %add3A_1063, %mul3A_1062 : i32
        %add3A_1065 = arith.constant 15 : i32
        %add3A_1066 = arith.addi %add3A_1064, %add3A_1065 : i32
        %broadcast_in_dim3A_1067 = vector.broadcast %add3A_1066 : i32 to vector<16xi32>
        %gather3A_1068 = tpu.vector_load_idx %arg8[%add3A_750, %broadcast_in_dim3A_1067] : memref<128x192xf32, #tpu.memory_space<vmem>>[vector<16xi32>, vector<16xi32>], vector<16xf32>,
        %mul3A_1069 = arith.mulf %get3A_737, %gather3A_1068 : vector<16xf32>
        %add3A_1070 = arith.addf %add3A_910, %mul3A_1069 : vector<16xf32>
        %mul3A_1071 = arith.constant 16 : i32
        %mul3A_1072 = arith.muli %select_n3A_66, %mul3A_1071 : i32
        %add3A_1073 = arith.constant 128 : i32
        %add3A_1074 = arith.addi %add3A_1073, %mul3A_1072 : i32
        %add3A_1075 = arith.constant 0 : i32
        %add3A_1076 = arith.addi %add3A_1074, %add3A_1075 : i32
        %broadcast_in_dim3A_1077 = vector.broadcast %add3A_1076 : i32 to vector<16xi32>
        %gather3A_1078 = tpu.vector_load_idx %arg8[%add3A_750, %broadcast_in_dim3A_1077] : memref<128x192xf32, #tpu.memory_space<vmem>>[vector<16xi32>, vector<16xi32>], vector<16xf32>,
        %mul3A_1079 = arith.mulf %get3A_744, %gather3A_1078 : vector<16xf32>
        %add3A_1080 = arith.addf %add3A_920, %mul3A_1079 : vector<16xf32>
        %mul3A_1081 = arith.constant 16 : i32
        %mul3A_1082 = arith.muli %select_n3A_66, %mul3A_1081 : i32
        %add3A_1083 = arith.constant 128 : i32
        %add3A_1084 = arith.addi %add3A_1083, %mul3A_1082 : i32
        %add3A_1085 = arith.constant 1 : i32
        %add3A_1086 = arith.addi %add3A_1084, %add3A_1085 : i32
        %broadcast_in_dim3A_1087 = vector.broadcast %add3A_1086 : i32 to vector<16xi32>
        %gather3A_1088 = tpu.vector_load_idx %arg8[%add3A_750, %broadcast_in_dim3A_1087] : memref<128x192xf32, #tpu.memory_space<vmem>>[vector<16xi32>, vector<16xi32>], vector<16xf32>,
        %mul3A_1089 = arith.mulf %get3A_744, %gather3A_1088 : vector<16xf32>
        %add3A_1090 = arith.addf %add3A_930, %mul3A_1089 : vector<16xf32>
        %mul3A_1091 = arith.constant 16 : i32
        %mul3A_1092 = arith.muli %select_n3A_66, %mul3A_1091 : i32
        %add3A_1093 = arith.constant 128 : i32
        %add3A_1094 = arith.addi %add3A_1093, %mul3A_1092 : i32
        %add3A_1095 = arith.constant 2 : i32
        %add3A_1096 = arith.addi %add3A_1094, %add3A_1095 : i32
        %broadcast_in_dim3A_1097 = vector.broadcast %add3A_1096 : i32 to vector<16xi32>
        %gather3A_1098 = tpu.vector_load_idx %arg8[%add3A_750, %broadcast_in_dim3A_1097] : memref<128x192xf32, #tpu.memory_space<vmem>>[vector<16xi32>, vector<16xi32>], vector<16xf32>,
        %mul3A_1099 = arith.mulf %get3A_744, %gather3A_1098 : vector<16xf32>
        %add3A_1100 = arith.addf %add3A_940, %mul3A_1099 : vector<16xf32>
        %mul3A_1101 = arith.constant 16 : i32
        %mul3A_1102 = arith.muli %select_n3A_66, %mul3A_1101 : i32
        %add3A_1103 = arith.constant 128 : i32
        %add3A_1104 = arith.addi %add3A_1103, %mul3A_1102 : i32
        %add3A_1105 = arith.constant 3 : i32
        %add3A_1106 = arith.addi %add3A_1104, %add3A_1105 : i32
        %broadcast_in_dim3A_1107 = vector.broadcast %add3A_1106 : i32 to vector<16xi32>
        %gather3A_1108 = tpu.vector_load_idx %arg8[%add3A_750, %broadcast_in_dim3A_1107] : memref<128x192xf32, #tpu.memory_space<vmem>>[vector<16xi32>, vector<16xi32>], vector<16xf32>,
        %mul3A_1109 = arith.mulf %get3A_744, %gather3A_1108 : vector<16xf32>
        %add3A_1110 = arith.addf %add3A_950, %mul3A_1109 : vector<16xf32>
        %mul3A_1111 = arith.constant 16 : i32
        %mul3A_1112 = arith.muli %select_n3A_66, %mul3A_1111 : i32
        %add3A_1113 = arith.constant 128 : i32
        %add3A_1114 = arith.addi %add3A_1113, %mul3A_1112 : i32
        %add3A_1115 = arith.constant 4 : i32
        %add3A_1116 = arith.addi %add3A_1114, %add3A_1115 : i32
        %broadcast_in_dim3A_1117 = vector.broadcast %add3A_1116 : i32 to vector<16xi32>
        %gather3A_1118 = tpu.vector_load_idx %arg8[%add3A_750, %broadcast_in_dim3A_1117] : memref<128x192xf32, #tpu.memory_space<vmem>>[vector<16xi32>, vector<16xi32>], vector<16xf32>,
        %mul3A_1119 = arith.mulf %get3A_744, %gather3A_1118 : vector<16xf32>
        %add3A_1120 = arith.addf %add3A_960, %mul3A_1119 : vector<16xf32>
        %mul3A_1121 = arith.constant 16 : i32
        %mul3A_1122 = arith.muli %select_n3A_66, %mul3A_1121 : i32
        %add3A_1123 = arith.constant 128 : i32
        %add3A_1124 = arith.addi %add3A_1123, %mul3A_1122 : i32
        %add3A_1125 = arith.constant 5 : i32
        %add3A_1126 = arith.addi %add3A_1124, %add3A_1125 : i32
        %broadcast_in_dim3A_1127 = vector.broadcast %add3A_1126 : i32 to vector<16xi32>
        %gather3A_1128 = tpu.vector_load_idx %arg8[%add3A_750, %broadcast_in_dim3A_1127] : memref<128x192xf32, #tpu.memory_space<vmem>>[vector<16xi32>, vector<16xi32>], vector<16xf32>,
        %mul3A_1129 = arith.mulf %get3A_744, %gather3A_1128 : vector<16xf32>
        %add3A_1130 = arith.addf %add3A_970, %mul3A_1129 : vector<16xf32>
        %mul3A_1131 = arith.constant 16 : i32
        %mul3A_1132 = arith.muli %select_n3A_66, %mul3A_1131 : i32
        %add3A_1133 = arith.constant 128 : i32
        %add3A_1134 = arith.addi %add3A_1133, %mul3A_1132 : i32
        %add3A_1135 = arith.constant 6 : i32
        %add3A_1136 = arith.addi %add3A_1134, %add3A_1135 : i32
        %broadcast_in_dim3A_1137 = vector.broadcast %add3A_1136 : i32 to vector<16xi32>
        %gather3A_1138 = tpu.vector_load_idx %arg8[%add3A_750, %broadcast_in_dim3A_1137] : memref<128x192xf32, #tpu.memory_space<vmem>>[vector<16xi32>, vector<16xi32>], vector<16xf32>,
        %mul3A_1139 = arith.mulf %get3A_744, %gather3A_1138 : vector<16xf32>
        %add3A_1140 = arith.addf %add3A_980, %mul3A_1139 : vector<16xf32>
        %mul3A_1141 = arith.constant 16 : i32
        %mul3A_1142 = arith.muli %select_n3A_66, %mul3A_1141 : i32
        %add3A_1143 = arith.constant 128 : i32
        %add3A_1144 = arith.addi %add3A_1143, %mul3A_1142 : i32
        %add3A_1145 = arith.constant 7 : i32
        %add3A_1146 = arith.addi %add3A_1144, %add3A_1145 : i32
        %broadcast_in_dim3A_1147 = vector.broadcast %add3A_1146 : i32 to vector<16xi32>
        %gather3A_1148 = tpu.vector_load_idx %arg8[%add3A_750, %broadcast_in_dim3A_1147] : memref<128x192xf32, #tpu.memory_space<vmem>>[vector<16xi32>, vector<16xi32>], vector<16xf32>,
        %mul3A_1149 = arith.mulf %get3A_744, %gather3A_1148 : vector<16xf32>
        %add3A_1150 = arith.addf %add3A_990, %mul3A_1149 : vector<16xf32>
        %mul3A_1151 = arith.constant 16 : i32
        %mul3A_1152 = arith.muli %select_n3A_66, %mul3A_1151 : i32
        %add3A_1153 = arith.constant 128 : i32
        %add3A_1154 = arith.addi %add3A_1153, %mul3A_1152 : i32
        %add3A_1155 = arith.constant 8 : i32
        %add3A_1156 = arith.addi %add3A_1154, %add3A_1155 : i32
        %broadcast_in_dim3A_1157 = vector.broadcast %add3A_1156 : i32 to vector<16xi32>
        %gather3A_1158 = tpu.vector_load_idx %arg8[%add3A_750, %broadcast_in_dim3A_1157] : memref<128x192xf32, #tpu.memory_space<vmem>>[vector<16xi32>, vector<16xi32>], vector<16xf32>,
        %mul3A_1159 = arith.mulf %get3A_744, %gather3A_1158 : vector<16xf32>
        %add3A_1160 = arith.addf %add3A_1000, %mul3A_1159 : vector<16xf32>
        %mul3A_1161 = arith.constant 16 : i32
        %mul3A_1162 = arith.muli %select_n3A_66, %mul3A_1161 : i32
        %add3A_1163 = arith.constant 128 : i32
        %add3A_1164 = arith.addi %add3A_1163, %mul3A_1162 : i32
        %add3A_1165 = arith.constant 9 : i32
        %add3A_1166 = arith.addi %add3A_1164, %add3A_1165 : i32
        %broadcast_in_dim3A_1167 = vector.broadcast %add3A_1166 : i32 to vector<16xi32>
        %gather3A_1168 = tpu.vector_load_idx %arg8[%add3A_750, %broadcast_in_dim3A_1167] : memref<128x192xf32, #tpu.memory_space<vmem>>[vector<16xi32>, vector<16xi32>], vector<16xf32>,
        %mul3A_1169 = arith.mulf %get3A_744, %gather3A_1168 : vector<16xf32>
        %add3A_1170 = arith.addf %add3A_1010, %mul3A_1169 : vector<16xf32>
        %mul3A_1171 = arith.constant 16 : i32
        %mul3A_1172 = arith.muli %select_n3A_66, %mul3A_1171 : i32
        %add3A_1173 = arith.constant 128 : i32
        %add3A_1174 = arith.addi %add3A_1173, %mul3A_1172 : i32
        %add3A_1175 = arith.constant 10 : i32
        %add3A_1176 = arith.addi %add3A_1174, %add3A_1175 : i32
        %broadcast_in_dim3A_1177 = vector.broadcast %add3A_1176 : i32 to vector<16xi32>
        %gather3A_1178 = tpu.vector_load_idx %arg8[%add3A_750, %broadcast_in_dim3A_1177] : memref<128x192xf32, #tpu.memory_space<vmem>>[vector<16xi32>, vector<16xi32>], vector<16xf32>,
        %mul3A_1179 = arith.mulf %get3A_744, %gather3A_1178 : vector<16xf32>
        %add3A_1180 = arith.addf %add3A_1020, %mul3A_1179 : vector<16xf32>
        %mul3A_1181 = arith.constant 16 : i32
        %mul3A_1182 = arith.muli %select_n3A_66, %mul3A_1181 : i32
        %add3A_1183 = arith.constant 128 : i32
        %add3A_1184 = arith.addi %add3A_1183, %mul3A_1182 : i32
        %add3A_1185 = arith.constant 11 : i32
        %add3A_1186 = arith.addi %add3A_1184, %add3A_1185 : i32
        %broadcast_in_dim3A_1187 = vector.broadcast %add3A_1186 : i32 to vector<16xi32>
        %gather3A_1188 = tpu.vector_load_idx %arg8[%add3A_750, %broadcast_in_dim3A_1187] : memref<128x192xf32, #tpu.memory_space<vmem>>[vector<16xi32>, vector<16xi32>], vector<16xf32>,
        %mul3A_1189 = arith.mulf %get3A_744, %gather3A_1188 : vector<16xf32>
        %add3A_1190 = arith.addf %add3A_1030, %mul3A_1189 : vector<16xf32>
        %mul3A_1191 = arith.constant 16 : i32
        %mul3A_1192 = arith.muli %select_n3A_66, %mul3A_1191 : i32
        %add3A_1193 = arith.constant 128 : i32
        %add3A_1194 = arith.addi %add3A_1193, %mul3A_1192 : i32
        %add3A_1195 = arith.constant 12 : i32
        %add3A_1196 = arith.addi %add3A_1194, %add3A_1195 : i32
        %broadcast_in_dim3A_1197 = vector.broadcast %add3A_1196 : i32 to vector<16xi32>
        %gather3A_1198 = tpu.vector_load_idx %arg8[%add3A_750, %broadcast_in_dim3A_1197] : memref<128x192xf32, #tpu.memory_space<vmem>>[vector<16xi32>, vector<16xi32>], vector<16xf32>,
        %mul3A_1199 = arith.mulf %get3A_744, %gather3A_1198 : vector<16xf32>
        %add3A_1200 = arith.addf %add3A_1040, %mul3A_1199 : vector<16xf32>
        %mul3A_1201 = arith.constant 16 : i32
        %mul3A_1202 = arith.muli %select_n3A_66, %mul3A_1201 : i32
        %add3A_1203 = arith.constant 128 : i32
        %add3A_1204 = arith.addi %add3A_1203, %mul3A_1202 : i32
        %add3A_1205 = arith.constant 13 : i32
        %add3A_1206 = arith.addi %add3A_1204, %add3A_1205 : i32
        %broadcast_in_dim3A_1207 = vector.broadcast %add3A_1206 : i32 to vector<16xi32>
        %gather3A_1208 = tpu.vector_load_idx %arg8[%add3A_750, %broadcast_in_dim3A_1207] : memref<128x192xf32, #tpu.memory_space<vmem>>[vector<16xi32>, vector<16xi32>], vector<16xf32>,
        %mul3A_1209 = arith.mulf %get3A_744, %gather3A_1208 : vector<16xf32>
        %add3A_1210 = arith.addf %add3A_1050, %mul3A_1209 : vector<16xf32>
        %mul3A_1211 = arith.constant 16 : i32
        %mul3A_1212 = arith.muli %select_n3A_66, %mul3A_1211 : i32
        %add3A_1213 = arith.constant 128 : i32
        %add3A_1214 = arith.addi %add3A_1213, %mul3A_1212 : i32
        %add3A_1215 = arith.constant 14 : i32
        %add3A_1216 = arith.addi %add3A_1214, %add3A_1215 : i32
        %broadcast_in_dim3A_1217 = vector.broadcast %add3A_1216 : i32 to vector<16xi32>
        %gather3A_1218 = tpu.vector_load_idx %arg8[%add3A_750, %broadcast_in_dim3A_1217] : memref<128x192xf32, #tpu.memory_space<vmem>>[vector<16xi32>, vector<16xi32>], vector<16xf32>,
        %mul3A_1219 = arith.mulf %get3A_744, %gather3A_1218 : vector<16xf32>
        %add3A_1220 = arith.addf %add3A_1060, %mul3A_1219 : vector<16xf32>
        %mul3A_1221 = arith.constant 16 : i32
        %mul3A_1222 = arith.muli %select_n3A_66, %mul3A_1221 : i32
        %add3A_1223 = arith.constant 128 : i32
        %add3A_1224 = arith.addi %add3A_1223, %mul3A_1222 : i32
        %add3A_1225 = arith.constant 15 : i32
        %add3A_1226 = arith.addi %add3A_1224, %add3A_1225 : i32
        %broadcast_in_dim3A_1227 = vector.broadcast %add3A_1226 : i32 to vector<16xi32>
        %gather3A_1228 = tpu.vector_load_idx %arg8[%add3A_750, %broadcast_in_dim3A_1227] : memref<128x192xf32, #tpu.memory_space<vmem>>[vector<16xi32>, vector<16xi32>], vector<16xf32>,
        %mul3A_1229 = arith.mulf %get3A_744, %gather3A_1228 : vector<16xf32>
        %add3A_1230 = arith.addf %add3A_1070, %mul3A_1229 : vector<16xf32>
        %mul3A_1231 = arith.constant 16 : i32
        %mul3A_1232 = arith.muli %select_n3A_66, %mul3A_1231 : i32
        %add3A_1233 = arith.constant 0 : i32
        %add3A_1234 = arith.addi %mul3A_1232, %add3A_1233 : i32
        %mul3A_1235 = arith.constant 16 : i32
        %mul3A_1236 = arith.muli %select_n3A, %mul3A_1235 : i32
        %swap3A = arith.index_cast %add3A_1234 : i32 to index
        %swap3A_1237 = arith.index_cast %mul3A_1236 : i32 to index
        %swap3A_1238 = tpu.vector_load %arg9[%swap3A, %swap3A_1237] {strides = array<i32>} : memref<64x64xf32, #tpu.memory_space<vmem>>, vector<16xf32>,
        tpu.vector_store %arg9[%swap3A, %swap3A_1237], %add3A_1080 {strides = array<i32>} : memref<64x64xf32, #tpu.memory_space<vmem>>, vector<16xf32>,
        %mul3A_1239 = arith.constant 16 : i32
        %mul3A_1240 = arith.muli %select_n3A_66, %mul3A_1239 : i32
        %add3A_1241 = arith.constant 1 : i32
        %add3A_1242 = arith.addi %mul3A_1240, %add3A_1241 : i32
        %mul3A_1243 = arith.constant 16 : i32
        %mul3A_1244 = arith.muli %select_n3A, %mul3A_1243 : i32
        %swap3A_1245 = arith.index_cast %add3A_1242 : i32 to index
        %swap3A_1246 = arith.index_cast %mul3A_1244 : i32 to index
        %swap3A_1247 = tpu.vector_load %arg9[%swap3A_1245, %swap3A_1246] {strides = array<i32>} : memref<64x64xf32, #tpu.memory_space<vmem>>, vector<16xf32>,
        tpu.vector_store %arg9[%swap3A_1245, %swap3A_1246], %add3A_1090 {strides = array<i32>} : memref<64x64xf32, #tpu.memory_space<vmem>>, vector<16xf32>,
        %mul3A_1248 = arith.constant 16 : i32
        %mul3A_1249 = arith.muli %select_n3A_66, %mul3A_1248 : i32
        %add3A_1250 = arith.constant 2 : i32
        %add3A_1251 = arith.addi %mul3A_1249, %add3A_1250 : i32
        %mul3A_1252 = arith.constant 16 : i32
        %mul3A_1253 = arith.muli %select_n3A, %mul3A_1252 : i32
        %swap3A_1254 = arith.index_cast %add3A_1251 : i32 to index
        %swap3A_1255 = arith.index_cast %mul3A_1253 : i32 to index
        %swap3A_1256 = tpu.vector_load %arg9[%swap3A_1254, %swap3A_1255] {strides = array<i32>} : memref<64x64xf32, #tpu.memory_space<vmem>>, vector<16xf32>,
        tpu.vector_store %arg9[%swap3A_1254, %swap3A_1255], %add3A_1100 {strides = array<i32>} : memref<64x64xf32, #tpu.memory_space<vmem>>, vector<16xf32>,
        %mul3A_1257 = arith.constant 16 : i32
        %mul3A_1258 = arith.muli %select_n3A_66, %mul3A_1257 : i32
        %add3A_1259 = arith.constant 3 : i32
        %add3A_1260 = arith.addi %mul3A_1258, %add3A_1259 : i32
        %mul3A_1261 = arith.constant 16 : i32
        %mul3A_1262 = arith.muli %select_n3A, %mul3A_1261 : i32
        %swap3A_1263 = arith.index_cast %add3A_1260 : i32 to index
        %swap3A_1264 = arith.index_cast %mul3A_1262 : i32 to index
        %swap3A_1265 = tpu.vector_load %arg9[%swap3A_1263, %swap3A_1264] {strides = array<i32>} : memref<64x64xf32, #tpu.memory_space<vmem>>, vector<16xf32>,
        tpu.vector_store %arg9[%swap3A_1263, %swap3A_1264], %add3A_1110 {strides = array<i32>} : memref<64x64xf32, #tpu.memory_space<vmem>>, vector<16xf32>,
        %mul3A_1266 = arith.constant 16 : i32
        %mul3A_1267 = arith.muli %select_n3A_66, %mul3A_1266 : i32
        %add3A_1268 = arith.constant 4 : i32
        %add3A_1269 = arith.addi %mul3A_1267, %add3A_1268 : i32
        %mul3A_1270 = arith.constant 16 : i32
        %mul3A_1271 = arith.muli %select_n3A, %mul3A_1270 : i32
        %swap3A_1272 = arith.index_cast %add3A_1269 : i32 to index
        %swap3A_1273 = arith.index_cast %mul3A_1271 : i32 to index
        %swap3A_1274 = tpu.vector_load %arg9[%swap3A_1272, %swap3A_1273] {strides = array<i32>} : memref<64x64xf32, #tpu.memory_space<vmem>>, vector<16xf32>,
        tpu.vector_store %arg9[%swap3A_1272, %swap3A_1273], %add3A_1120 {strides = array<i32>} : memref<64x64xf32, #tpu.memory_space<vmem>>, vector<16xf32>,
        %mul3A_1275 = arith.constant 16 : i32
        %mul3A_1276 = arith.muli %select_n3A_66, %mul3A_1275 : i32
        %add3A_1277 = arith.constant 5 : i32
        %add3A_1278 = arith.addi %mul3A_1276, %add3A_1277 : i32
        %mul3A_1279 = arith.constant 16 : i32
        %mul3A_1280 = arith.muli %select_n3A, %mul3A_1279 : i32
        %swap3A_1281 = arith.index_cast %add3A_1278 : i32 to index
        %swap3A_1282 = arith.index_cast %mul3A_1280 : i32 to index
        %swap3A_1283 = tpu.vector_load %arg9[%swap3A_1281, %swap3A_1282] {strides = array<i32>} : memref<64x64xf32, #tpu.memory_space<vmem>>, vector<16xf32>,
        tpu.vector_store %arg9[%swap3A_1281, %swap3A_1282], %add3A_1130 {strides = array<i32>} : memref<64x64xf32, #tpu.memory_space<vmem>>, vector<16xf32>,
        %mul3A_1284 = arith.constant 16 : i32
        %mul3A_1285 = arith.muli %select_n3A_66, %mul3A_1284 : i32
        %add3A_1286 = arith.constant 6 : i32
        %add3A_1287 = arith.addi %mul3A_1285, %add3A_1286 : i32
        %mul3A_1288 = arith.constant 16 : i32
        %mul3A_1289 = arith.muli %select_n3A, %mul3A_1288 : i32
        %swap3A_1290 = arith.index_cast %add3A_1287 : i32 to index
        %swap3A_1291 = arith.index_cast %mul3A_1289 : i32 to index
        %swap3A_1292 = tpu.vector_load %arg9[%swap3A_1290, %swap3A_1291] {strides = array<i32>} : memref<64x64xf32, #tpu.memory_space<vmem>>, vector<16xf32>,
        tpu.vector_store %arg9[%swap3A_1290, %swap3A_1291], %add3A_1140 {strides = array<i32>} : memref<64x64xf32, #tpu.memory_space<vmem>>, vector<16xf32>,
        %mul3A_1293 = arith.constant 16 : i32
        %mul3A_1294 = arith.muli %select_n3A_66, %mul3A_1293 : i32
        %add3A_1295 = arith.constant 7 : i32
        %add3A_1296 = arith.addi %mul3A_1294, %add3A_1295 : i32
        %mul3A_1297 = arith.constant 16 : i32
        %mul3A_1298 = arith.muli %select_n3A, %mul3A_1297 : i32
        %swap3A_1299 = arith.index_cast %add3A_1296 : i32 to index
        %swap3A_1300 = arith.index_cast %mul3A_1298 : i32 to index
        %swap3A_1301 = tpu.vector_load %arg9[%swap3A_1299, %swap3A_1300] {strides = array<i32>} : memref<64x64xf32, #tpu.memory_space<vmem>>, vector<16xf32>,
        tpu.vector_store %arg9[%swap3A_1299, %swap3A_1300], %add3A_1150 {strides = array<i32>} : memref<64x64xf32, #tpu.memory_space<vmem>>, vector<16xf32>,
        %mul3A_1302 = arith.constant 16 : i32
        %mul3A_1303 = arith.muli %select_n3A_66, %mul3A_1302 : i32
        %add3A_1304 = arith.constant 8 : i32
        %add3A_1305 = arith.addi %mul3A_1303, %add3A_1304 : i32
        %mul3A_1306 = arith.constant 16 : i32
        %mul3A_1307 = arith.muli %select_n3A, %mul3A_1306 : i32
        %swap3A_1308 = arith.index_cast %add3A_1305 : i32 to index
        %swap3A_1309 = arith.index_cast %mul3A_1307 : i32 to index
        %swap3A_1310 = tpu.vector_load %arg9[%swap3A_1308, %swap3A_1309] {strides = array<i32>} : memref<64x64xf32, #tpu.memory_space<vmem>>, vector<16xf32>,
        tpu.vector_store %arg9[%swap3A_1308, %swap3A_1309], %add3A_1160 {strides = array<i32>} : memref<64x64xf32, #tpu.memory_space<vmem>>, vector<16xf32>,
        %mul3A_1311 = arith.constant 16 : i32
        %mul3A_1312 = arith.muli %select_n3A_66, %mul3A_1311 : i32
        %add3A_1313 = arith.constant 9 : i32
        %add3A_1314 = arith.addi %mul3A_1312, %add3A_1313 : i32
        %mul3A_1315 = arith.constant 16 : i32
        %mul3A_1316 = arith.muli %select_n3A, %mul3A_1315 : i32
        %swap3A_1317 = arith.index_cast %add3A_1314 : i32 to index
        %swap3A_1318 = arith.index_cast %mul3A_1316 : i32 to index
        %swap3A_1319 = tpu.vector_load %arg9[%swap3A_1317, %swap3A_1318] {strides = array<i32>} : memref<64x64xf32, #tpu.memory_space<vmem>>, vector<16xf32>,
        tpu.vector_store %arg9[%swap3A_1317, %swap3A_1318], %add3A_1170 {strides = array<i32>} : memref<64x64xf32, #tpu.memory_space<vmem>>, vector<16xf32>,
        %mul3A_1320 = arith.constant 16 : i32
        %mul3A_1321 = arith.muli %select_n3A_66, %mul3A_1320 : i32
        %add3A_1322 = arith.constant 10 : i32
        %add3A_1323 = arith.addi %mul3A_1321, %add3A_1322 : i32
        %mul3A_1324 = arith.constant 16 : i32
        %mul3A_1325 = arith.muli %select_n3A, %mul3A_1324 : i32
        %swap3A_1326 = arith.index_cast %add3A_1323 : i32 to index
        %swap3A_1327 = arith.index_cast %mul3A_1325 : i32 to index
        %swap3A_1328 = tpu.vector_load %arg9[%swap3A_1326, %swap3A_1327] {strides = array<i32>} : memref<64x64xf32, #tpu.memory_space<vmem>>, vector<16xf32>,
        tpu.vector_store %arg9[%swap3A_1326, %swap3A_1327], %add3A_1180 {strides = array<i32>} : memref<64x64xf32, #tpu.memory_space<vmem>>, vector<16xf32>,
        %mul3A_1329 = arith.constant 16 : i32
        %mul3A_1330 = arith.muli %select_n3A_66, %mul3A_1329 : i32
        %add3A_1331 = arith.constant 11 : i32
        %add3A_1332 = arith.addi %mul3A_1330, %add3A_1331 : i32
        %mul3A_1333 = arith.constant 16 : i32
        %mul3A_1334 = arith.muli %select_n3A, %mul3A_1333 : i32
        %swap3A_1335 = arith.index_cast %add3A_1332 : i32 to index
        %swap3A_1336 = arith.index_cast %mul3A_1334 : i32 to index
        %swap3A_1337 = tpu.vector_load %arg9[%swap3A_1335, %swap3A_1336] {strides = array<i32>} : memref<64x64xf32, #tpu.memory_space<vmem>>, vector<16xf32>,
        tpu.vector_store %arg9[%swap3A_1335, %swap3A_1336], %add3A_1190 {strides = array<i32>} : memref<64x64xf32, #tpu.memory_space<vmem>>, vector<16xf32>,
        %mul3A_1338 = arith.constant 16 : i32
        %mul3A_1339 = arith.muli %select_n3A_66, %mul3A_1338 : i32
        %add3A_1340 = arith.constant 12 : i32
        %add3A_1341 = arith.addi %mul3A_1339, %add3A_1340 : i32
        %mul3A_1342 = arith.constant 16 : i32
        %mul3A_1343 = arith.muli %select_n3A, %mul3A_1342 : i32
        %swap3A_1344 = arith.index_cast %add3A_1341 : i32 to index
        %swap3A_1345 = arith.index_cast %mul3A_1343 : i32 to index
        %swap3A_1346 = tpu.vector_load %arg9[%swap3A_1344, %swap3A_1345] {strides = array<i32>} : memref<64x64xf32, #tpu.memory_space<vmem>>, vector<16xf32>,
        tpu.vector_store %arg9[%swap3A_1344, %swap3A_1345], %add3A_1200 {strides = array<i32>} : memref<64x64xf32, #tpu.memory_space<vmem>>, vector<16xf32>,
        %mul3A_1347 = arith.constant 16 : i32
        %mul3A_1348 = arith.muli %select_n3A_66, %mul3A_1347 : i32
        %add3A_1349 = arith.constant 13 : i32
        %add3A_1350 = arith.addi %mul3A_1348, %add3A_1349 : i32
        %mul3A_1351 = arith.constant 16 : i32
        %mul3A_1352 = arith.muli %select_n3A, %mul3A_1351 : i32
        %swap3A_1353 = arith.index_cast %add3A_1350 : i32 to index
        %swap3A_1354 = arith.index_cast %mul3A_1352 : i32 to index
        %swap3A_1355 = tpu.vector_load %arg9[%swap3A_1353, %swap3A_1354] {strides = array<i32>} : memref<64x64xf32, #tpu.memory_space<vmem>>, vector<16xf32>,
        tpu.vector_store %arg9[%swap3A_1353, %swap3A_1354], %add3A_1210 {strides = array<i32>} : memref<64x64xf32, #tpu.memory_space<vmem>>, vector<16xf32>,
        %mul3A_1356 = arith.constant 16 : i32
        %mul3A_1357 = arith.muli %select_n3A_66, %mul3A_1356 : i32
        %add3A_1358 = arith.constant 14 : i32
        %add3A_1359 = arith.addi %mul3A_1357, %add3A_1358 : i32
        %mul3A_1360 = arith.constant 16 : i32
        %mul3A_1361 = arith.muli %select_n3A, %mul3A_1360 : i32
        %swap3A_1362 = arith.index_cast %add3A_1359 : i32 to index
        %swap3A_1363 = arith.index_cast %mul3A_1361 : i32 to index
        %swap3A_1364 = tpu.vector_load %arg9[%swap3A_1362, %swap3A_1363] {strides = array<i32>} : memref<64x64xf32, #tpu.memory_space<vmem>>, vector<16xf32>,
        tpu.vector_store %arg9[%swap3A_1362, %swap3A_1363], %add3A_1220 {strides = array<i32>} : memref<64x64xf32, #tpu.memory_space<vmem>>, vector<16xf32>,
        %mul3A_1365 = arith.constant 16 : i32
        %mul3A_1366 = arith.muli %select_n3A_66, %mul3A_1365 : i32
        %add3A_1367 = arith.constant 15 : i32
        %add3A_1368 = arith.addi %mul3A_1366, %add3A_1367 : i32
        %mul3A_1369 = arith.constant 16 : i32
        %mul3A_1370 = arith.muli %select_n3A, %mul3A_1369 : i32
        %swap3A_1371 = arith.index_cast %add3A_1368 : i32 to index
        %swap3A_1372 = arith.index_cast %mul3A_1370 : i32 to index
        %swap3A_1373 = tpu.vector_load %arg9[%swap3A_1371, %swap3A_1372] {strides = array<i32>} : memref<64x64xf32, #tpu.memory_space<vmem>>, vector<16xf32>,
        tpu.vector_store %arg9[%swap3A_1371, %swap3A_1372], %add3A_1230 {strides = array<i32>} : memref<64x64xf32, #tpu.memory_space<vmem>>, vector<16xf32>,
      }
      %scan3A_35 = arith.constant 16 : i32
    }
    %scan3A_18 = arith.constant 32 : i32
    "tpu.region"() ({
      %run_scoped3A = tpu.sem_alloc : memref<!tpu.dma_semaphore, #tpu.memory_space<semaphore_mem>>
      %dma_start3A = arith.constant 0 : i32
      %dma_start3A_19 = arith.constant 0 : i32
      %dma_start3A_20 = tpu.memref_slice %arg4[%add3A, %dma_start3A, %dma_start3A_19] : memref<32x64x64xf32, #tpu.memory_space<hbm>> -> memref<1x64x64xf32, #tpu.memory_space<hbm>>
      %dma_start3A_21 = tpu.memref_squeeze %dma_start3A_20 : memref<1x64x64xf32, #tpu.memory_space<hbm>> -> memref<64x64xf32, #tpu.memory_space<hbm>>
      %dma_start3A_22 = arith.constant 0 : i32
      %dma_start3A_23 = arith.constant 0 : i32
      %dma_start3A_24 = tpu.memref_slice %arg4[%add3A, %dma_start3A_22, %dma_start3A_23] : memref<32x64x64xf32, #tpu.memory_space<hbm>> -> memref<1x64x64xf32, #tpu.memory_space<hbm>>
      %dma_start3A_25 = tpu.memref_squeeze %dma_start3A_24 : memref<1x64x64xf32, #tpu.memory_space<hbm>> -> memref<64x64xf32, #tpu.memory_space<hbm>>
      tpu.enqueue_dma source(%arg9 : memref<64x64xf32, #tpu.memory_space<vmem>>) target(%dma_start3A_25 : memref<64x64xf32, #tpu.memory_space<hbm>>) target_semaphore(%run_scoped3A : memref<!tpu.dma_semaphore, #tpu.memory_space<semaphore_mem>>)
      %dma_wait3A = arith.constant 0 : i32
      %dma_wait3A_26 = arith.constant 0 : i32
      %dma_wait3A_27 = tpu.memref_slice %arg4[%add3A, %dma_wait3A, %dma_wait3A_26] : memref<32x64x64xf32, #tpu.memory_space<hbm>> -> memref<1x64x64xf32, #tpu.memory_space<hbm>>
      %dma_wait3A_28 = tpu.memref_squeeze %dma_wait3A_27 : memref<1x64x64xf32, #tpu.memory_space<hbm>> -> memref<64x64xf32, #tpu.memory_space<hbm>>
      %dma_wait3A_29 = arith.constant 0 : i32
      %dma_wait3A_30 = arith.constant 0 : i32
      %dma_wait3A_31 = tpu.memref_slice %arg4[%add3A, %dma_wait3A_29, %dma_wait3A_30] : memref<32x64x64xf32, #tpu.memory_space<hbm>> -> memref<1x64x64xf32, #tpu.memory_space<hbm>>
      %dma_wait3A_32 = tpu.memref_squeeze %dma_wait3A_31 : memref<1x64x64xf32, #tpu.memory_space<hbm>> -> memref<64x64xf32, #tpu.memory_space<hbm>>
      tpu.wait_dma2 semaphore(%run_scoped3A : memref<!tpu.dma_semaphore, #tpu.memory_space<semaphore_mem>>) src(%arg9 : memref<64x64xf32, #tpu.memory_space<vmem>>) dst(%dma_wait3A_32 : memref<64x64xf32, #tpu.memory_space<hbm>>)
      tpu.yield
    }) : () -> ()
    return
  }
}

</mosaic_0001>

<sc_bundles>
// kernel: kernel.3.cloned.1.call-start
scs
__scs_entry_jumppad:
0x0: {  	(pc) =	sbr.rel $0x88, $3  }
0x1: {  	(tag) =	ssettag $0x0;
	lr =	simm.s32 $0x1  }
0x2: {  	[smem:$0x3F9F] =	sst lr;
	_ =	strace $0xD0000000  }
0x3: {  	_ = 	snop  }
0x4: {  	_ = 	snop  }
0x5: {  	_ = 	snop  }
0x6: {  	_ = 	snop  }
0x7: {  	_ = 	snop  }
__scs_overlays_trampoline_lowered:
0x8: {  	[smem:$0x3FAE] =	sst s0  }
0x9: {  	[smem:$0x3FAF] =	sst s1  }
0xa: {  	[smem:$0x3FB0] =	sst s2  }
0xb: {  	[smem:$0x3FB1] =	sst s3  }
0xc: {  	[smem:$0x3FB2] =	sst s4  }
0xd: {  	[smem:$0x3FB3] =	sst s5  }
0xe: {  	[smem:$0x3FB4] =	sst s6  }
0xf: {  	[smem:$0x3FB5] =	sst s7  }
0x10: {  	[smem:$0x3FB6] =	sst s8  }
0x11: {  	[smem:$0x3FB7] =	sst s9;
	s0 =	simm.s32 @!p0 $0x0  }
0x12: {  	s1 =	sld [smem:$0x3F9D];
	s0 =	simm.s32 @p0 $0x1  }
0x13: {  	[smem:$0x3FB8] =	sst s0;
	s0 =	simm.s32 @!p1 $0x0  }
0x14: {  	s2 =	sld [smem:$0x3F9C];
	s0 =	simm.s32 @p1 $0x1  }
0x15: {  	[smem:$0x3FB9] =	sst s0;
	s0 =	simm.s32 @!p2 $0x0  }
0x16: {  	s3 =	sld [smem:$0x3FDB];
	s0 =	simm.s32 @p2 $0x1  }
0x17: {  	s4 =	simm.s32 $0x1BF5;
	[smem:$0x3FBB] =	sst s0  }
0x18: {  	s0 =	sld [smem:$0x3F9E];
	_ =	swait.ge [sflag:s4], $0x0  }
0x19: {  	s7 =	sld [smem:$0x3F9F]  }
0x1a: {  	s8 =	sadd.s32 $0xFFFFE003, lr  }
0x1b: {  	s9 =	sadd.s32 $0xFFFFFEF7, lr;
	s5 =	simm.s32 $0xFFFFFFFF;
	p2 =	slt.u32 s8, $0xFFFFF086  }
0x1c: {  	p1 =	slt.u32 s9, $0xF7A;
	s5 =	simm.s32 @!p2 $0x0  }
0x1d: {  	s5 =	simm.s32 @p1 $0x1;
	p0 =	seq.s32 s7, s2  }
0x1e: {  	s7 =	smul.u32 @!p0 $0xF7A, s2;
	p2 =	seq.s32 @!p0 s5, $0x0  }
0x1f: {  	s9 =	smul.u32 $0xF7A, s1;
	s8 =	simm.s32 @!p0 $0x1BF5;
	p2 =	por !p2, p0  }
0x20: {  	[sflag:s8] =	ssyncset.s32 @!p0 $0xFFFFF086;
	s6 =	sadd.s32 @!p0 s3, s7;
	s7 =	simm.s32 @!p0 $0x108  }
0x21: {  	s3 =	sadd.s32 s3, s9;
	s6 =	sadd.s32 @!p0 $0x88, s6;
	s7 =	simm.s32 @p2 $0x1082  }
0x22: {  	[simem:s7], [sflag:s8] =	dma.local @!p0 [hbm:s6], $0xF7A  }
0x23: {  	s9 =	sor.u32 $0xD0000000, s2;
	s6 =	simm.s32 $0x108;
	_ =	swait.ge @!p0 [sflag:s8], $0x0  }
0x24: {  	s3 =	sadd.s32 $0x88, s3;
	s6 =	simm.s32 @!p1 $0x1082;
	[sflag:s4] =	ssyncset.s32 $0xFFFFF086  }
0x25: {  	[simem:s6], [sflag:s4] =	dma.local [hbm:s3], $0xF7A  }
0x26: {  	[smem:$0x3F9F] =	sst s1;
	(tag) =	ssettag s2;
	_ =	strace s9  }
0x27: {  	s1 =	sld [smem:$0x3FAF]  }
0x28: {  	s2 =	sld [smem:$0x3FB0]  }
0x29: {  	s4 =	sld [smem:$0x3FB2]  }
0x2a: {  	p0 =	seq.s32 s5, $0x0;
	s5 =	sld [smem:$0x3FB3]  }
0x2b: {  	s6 =	sld [smem:$0x3FB4]  }
0x2c: {  	s7 =	sld [smem:$0x3FB5]  }
0x2d: {  	s3 =	simm.s32 $0x108;
	s8 =	sld [smem:$0x3FB6]  }
0x2e: {  	s3 =	simm.s32 @!p0 $0x1082;
	s9 =	sld [smem:$0x3FB7]  }
0x2f: {  	lr =	sadd.s32 s0, s3;
	s0 =	sld [smem:$0x3FAE]  }
0x30: {  	s3 =	sld [smem:$0x3FB1]  }
0x31: {  	[smem:$0x3FBA] =	sst s10  }
0x32: {  	s10 =	sld [smem:$0x3FB8];
	_ =	sdelay $0x3  }
0x33: {  	p0 =	seq.s32 s10, $0x1;
	s10 =	sld [smem:$0x3FBA];
	_ =	sdelay $0x3  }
0x34: {  	[smem:$0x3FBA] =	sst s10  }
0x35: {  	s10 =	sld [smem:$0x3FB9];
	_ =	sdelay $0x3  }
0x36: {  	p1 =	seq.s32 s10, $0x1;
	s10 =	sld [smem:$0x3FBA];
	_ =	sdelay $0x3  }
0x37: {  	[smem:$0x3FBA] =	sst s10  }
0x38: {  	s10 =	sld [smem:$0x3FBB]  }
0x39: {  	_ = 	snop;
	(pc) =	sbr.ind lr, $3  }
0x3a: {  	_ = 	snop  }
0x3b: {  	_ = 	snop  }
0x3c: {  	p2 =	seq.s32 s10, $0x1;
	s10 =	sld [smem:$0x3FBA]  }
0x3d: {  	_ =	shalt  }
0x3e: {  	_ =	shalt  }
0x3f: {  	_ =	shalt  }
0x40: {  	_ =	shalt  }
0x41: {  	_ =	shalt  }
0x42: {  	_ =	shalt  }
0x43: {  	_ =	shalt  }
0x44: {  	_ =	shalt  }
0x45: {  	_ =	shalt  }
0x46: {  	_ =	shalt  }
0x47: {  	_ =	shalt  }
0x48: {  	_ =	shalt  }
0x49: {  	_ =	shalt  }
0x4a: {  	_ =	shalt  }
0x4b: {  	_ =	shalt  }
0x4c: {  	_ =	shalt  }
0x4d: {  	_ =	shalt  }
0x4e: {  	_ =	shalt  }
0x4f: {  	_ =	shalt  }
0x50: {  	_ =	shalt  }
0x51: {  	_ =	shalt  }
0x52: {  	_ =	shalt  }
0x53: {  	_ =	shalt  }
0x54: {  	_ =	shalt  }
0x55: {  	_ =	shalt  }
0x56: {  	_ =	shalt  }
0x57: {  	_ =	shalt  }
0x58: {  	_ =	shalt  }
0x59: {  	_ =	shalt  }
0x5a: {  	_ =	shalt  }
0x5b: {  	_ =	shalt  }
0x5c: {  	_ =	shalt  }
0x5d: {  	_ =	shalt  }
0x5e: {  	_ =	shalt  }
0x5f: {  	_ =	shalt  }
0x60: {  	_ =	shalt  }
0x61: {  	_ =	shalt  }
0x62: {  	_ =	shalt  }
0x63: {  	_ =	shalt  }
0x64: {  	_ =	shalt  }
0x65: {  	_ =	shalt  }
0x66: {  	_ =	shalt  }
0x67: {  	_ =	shalt  }
0x68: {  	_ =	shalt  }
0x69: {  	_ =	shalt  }
0x6a: {  	_ =	shalt  }
0x6b: {  	_ =	shalt  }
0x6c: {  	_ =	shalt  }
0x6d: {  	_ =	shalt  }
0x6e: {  	_ =	shalt  }
0x6f: {  	_ =	shalt  }
0x70: {  	_ =	shalt  }
0x71: {  	_ =	shalt  }
0x72: {  	_ =	shalt  }
0x73: {  	_ =	shalt  }
0x74: {  	_ =	shalt  }
0x75: {  	_ =	shalt  }
0x76: {  	_ =	shalt  }
0x77: {  	_ =	shalt  }
0x78: {  	_ =	shalt  }
0x79: {  	_ =	shalt  }
0x7a: {  	_ =	shalt  }
0x7b: {  	_ =	shalt  }
0x7c: {  	_ =	shalt  }
0x7d: {  	_ =	shalt  }
0x7e: {  	_ =	shalt  }
0x7f: {  	_ =	shalt  }
0x80: {  	_ =	shalt  }
0x81: {  	_ =	shalt  }
0x82: {  	_ =	shalt  }
0x83: {  	_ =	shalt  }
0x84: {  	_ =	shalt  }
0x85: {  	_ =	shalt  }
0x86: {  	_ =	shalt  }
0x87: {  	_ =	shalt  }
.Lfunc_end0:
.L_simem_size_0:
called_computation_lowered:
.L_overlay_start_0:
0x88: {  	s2 =	sld [smem:$0x3FD9]  }
0x89: {  	s3 =	sld [smem:$0x3FFE];
	_ =	sdelay $0x1  }
0x8a: {  	s1 =	srdreg.scid  }
0x8b: {  	s0 =	sand.u32 $0x1, s1  }
0x8c: {  	s17 =	sshll.u32 s0, $0xA;
	s2 =	sadd.s32 s3, s2  }
0x8d: {  	s2 =	sadd.s32 s2, s17  }
0x8e: {  	[smem:$0x3FC6] =	sst s2  }
0x8f: {  	_ = 	snop  }
0x90: {  	s2 =	sld [smem:$0x3FD0];
	(tm) =	ssettm $0x1  }
0x91: {  	s18 =	sld [smem:$0x3FFB];
	_ =	sdelay $0x3  }
0x92: {  	_ =	strace s18  }
0x93: {  	s3 =	sld [smem:$0x3FFC];
	_ =	sdelay $0x3  }
0x94: {  	_ =	strace s3  }
0x95: {  	s3 =	sld [smem:$0x3FFD];
	_ =	sdelay $0x3  }
0x96: {  	_ =	strace s3  }
0x97: {  	_ =	strace $0x8FFFFFFF  }
0x98: {  	s19 =	sld [smem:$0x3FDB];
	_ =	sdelay $0x1  }
0x99: {  	s4 =	simm.s32 $_scs_section_size  }
0x9a: {  	s5 =	simm.s32 $_size__tile_overlayer_lowered;
	s6 =	simm.s32 $_tile_overlayer_lowered  }
0x9b: {  	s22 =	simm.s32 $0x1BFF;
	s21 =	sshll.u32 s6, $0x1;
	s3 =	sadd.s32 s4, s19  }
0x9c: {  	s7 =	simm.s32 $0x0;
	s20 =	sshll.u32 s5, $0x1;
	s5 =	sadd.s32 s21, s3  }
0x9d: {  	[timem:s7], [sflag:s22] =	dma.local [hbm:s5], s20  }
0x9e: {  	_ =	swait.ge [sflag:s22], s20  }
0x9f: {  	s4 =	ssub.s32 $0x0, s20;
	[sflag:s22] =	ssyncset.done $0x0  }
0xa0: {  	[sflag:s22] =	ssyncadd.s32 s4;
	_ =	sdelay $0x1  }
0xa1: {  	s23 =	simm.s32 $0x1B8B  }
0xa2: {  	_ =	swait.ge [sflag:s23], $0x1  }
0xa3: {  	[sflag:s23] =	ssyncset.done $0x0  }
0xa4: {  	s25 =	simm.s32 $0x1B8E;
	s24 =	sld [smem:$0x3FFE];
	[sflag:s23] =	ssyncadd.s32 $0xFFFFFFFF  }
0xa5: {  	s26 =	simm.s32 $execute0_lowered;
	[smem:$0x3FD2] =	sst s25  }
0xa6: {  	s5 =	sshll.u32 s26, $0x1;
	_ =	strace $0x80000046;
	[dreg:$0x1] =	wrdreg $0xFFFFFFFF  }
0xa7: {  	s28 =	simm.s32 $_size_execute0_lowered;
	s3 =	sadd.s32 s3, s5;
	[dreg:$0x0] =	wrdreg $0x0  }
0xa8: {  	s5 =	sshll.u32 s28, $0x1;
	[dreg:$0x2] =	wrdreg s3  }
0xa9: {  	[dreg:$0x3] =	wrdreg s5  }
0xaa: {  	[dreg:$0x4] =	wrdreg $0xC0  }
0xab: {  	_ =	task [dreg:s7], $0x5FFFF  }
0xac: {  	[dreg:$0x1] =	wrdreg $0xFFFFFFFF  }
0xad: {  	[dreg:$0x0] =	wrdreg $0x60  }
0xae: {  	[dreg:$0x2] =	wrdreg s2  }
0xaf: {  	[dreg:$0x3] =	wrdreg s24  }
0xb0: {  	[dreg:$0x4] =	wrdreg $0x9  }
0xb1: {  	_ =	task.clear_ibuf [dreg:s7], $0x5FFFF;
	_ =	strace $0x90000046  }
0xb2: {  	s29 =	simm.s32 $0x9;
	_ =	strace $0x80000048  }
0xb3: {  	_ =	swait.ge [sflag:s29], $0x1  }
0xb4: {  	[sflag:s29] =	ssyncadd.s32 $0xFFFFFFFF  }
0xb5: {  	_ =	strace $0x90000048  }
0xb6: {  	_ =	sfence  }
0xb7: {  	s30 =	sld [smem:$0x0];
	_ =	sdelay $0x2  }
0xb8: {  	s31 =	sshll.u32 s1, $0xD;
	s1 =	sshrl.u32 s1, $0x2  }
0xb9: {  	s3 =	sand.u32 $0x4000, s31;
	s1 =	sadd.s32 s1, s30  }
0xba: {  	s0 =	sor.u32 s3, s0;
	s1 =	sshll.u32 s1, $0x11  }
0xbb: {  	s0 =	sor.u32 s1, s0  }
0xbc: {  	s0 =	sadd.s32 $0x8F2B, s0  }
0xbd: {  	[sflag:s0] =	ssyncadd.remote.s32 $0x1  }
0xbe: {  	_ =	sfence.sel $0xFFFF  }
0xbf: {  	[dreg:$0x0] =	wrdreg $0xFFFFFFFF;
	(pc) =	sbr.abs _section_cstart, $3  }
0xc0: {  	[dreg:$0x1] =	wrdreg $0xFFFFFFFF  }
0xc1: {  	_ =	task.clear_ibuf [dreg:s7], $0x2FFFF;
	_ =	strace $0x9FFFFFFF  }
0xc2: {  	(tm) =	ssettm $0x7FFFFFFF  }
0xc3: {  	_ =	shalt  }
tec
execute0_lowered:
.L_overlay_start_1:
0x0: {  	(tag) =	ssettag $0x1  }
0x1: {  	v0 =	vlaneseq.u32  }
0x2: {  	s0 =	rddreg [dreg:$0x0];
	s2 =	simm.s32 $0x0;
	v0 =	vmul.u32 $0xC0, v0  }
0x3: {  	[smem:$0x7FF] =	sst s2  }
0x4: {  	s4 =	rddreg [dreg:$0x1];
	_ =	strace $0x80000047;
	v3 =	vor.u32 $0x1, v0;
	[tilespmem:$0x1FF80] =	vst v0  }
0x5: {  	s3 =	srdreg.scid;
	v4 =	vor.u32 $0x2, v0;
	[tilespmem:$0x1FF90] =	vst v3  }
0x6: {  	s1 =	stileid.u32;
	s9 =	simm.s32 $0x5000;
	s3 =	sand.u32 $0x1, s3;
	v5 =	vor.u32 $0x3, v0;
	[tilespmem:$0x1FFA0] =	vst v4  }
0x7: {  	s10 =	simm.s32 $0x1;
	s5 =	sshll.u32 s1, $0xA;
	s6 =	sshll.u32 s3, $0x9;
	v6 =	vor.u32 $0x4, v0;
	[tilespmem:$0x1FFB0] =	vst v5  }
0x8: {  	s12 =	simm.s32 $0x0;
	s7 =	ssub.s32 $0x2, s3;
	s5 =	sor.u32 s6, s5;
	v7 =	vor.u32 $0x5, v0;
	[tilespmem:$0x1FFC0] =	vst v6  }
0x9: {  	s3 =	sadd.s32 $0x600, s4;
	s31 =	sshrl.u32 s7, $0x1;
	v8 =	vor.u32 $0x6, v0;
	s8 =	sadd.s32 s5, s4;
	[tilespmem:$0x1FFD0] =	vst v7  }
0xa: {  	v2 =	vimm.s32 $0x0;
	vm0 =	vcmask $0x300;
	v9 =	vor.u32 $0x7, v0;
	s6 =	ssub.s32 s7, s31;
	s4 =	sadd.s32 s0, s5;
	s7 =	simm.s32 $0x2;
	[tilespmem:$0x1FFE0] =	vst v8  }
0xb: {  	v1 =	vimm.f32 $0.0e+00;
	v2 =	vsel vm0, $0x3, v2;
	[tilespmem:$0x1FFF0] =	vst v9;
	s5 =	sadd.s32 $0x30600, s8;
	s6 =	smax.u32 s6, $0x1;
	s8 =	simm.s32 $0x80  }
.LBB2_1:
0xc: {  	[tilespmem:s2], [sflag:$0x2] =	stream.linear.gather [hbm4b:s4+s2], $0x1000, $0x38;
	[tilespmem:$0xC000] =	vst v63  }
0xd: {  	_ =	swait.ge [sflag:s7], $0x1000  }
0xe: {  	[sflag:s7] =	ssyncset.done $0x0  }
0xf: {  	s0 =	simm.s32 $0x0;
	[sflag:s7] =	ssyncadd.s32 $0xFFFFF000  }
.LBB2_2:
0x10: {  	p0 =	sne.s32 s0, $0x3F00  }
.Ltmp0:
0x11: {  	s13 =	sshra.s32 s0, $0x2;
	(pc) =	sbr.rel @p0 .LBB2_2-.Ltmp0, $4  }
0x12: {  	[tilespmem:s13+$0xB000] =	vst v1  }
0x13: {  	[tilespmem:s13+$0xB010] =	vst v1  }
0x14: {  	[tilespmem:s13+$0xB020] =	vst v1  }
0x15: {  	s0 =	sadd.s32 $0x100, s0;
	[tilespmem:s13+$0xB030] =	vst v1  }
0x16: {  	s0 =	simm.s32 $0x20  }
0x17: {  	v10 =	vld [tilespmem:s0+$0xFFFFFFE0];
	_ =	sdelay $0x4  }
0x18: {  	v11 =	vadd.f32 $1.000000000e+00, v10;
	_ =	sdelay $0x1  }
0x19: {  	v11 =	vmul.f32 $6.400000000e+01, v11;
	_ =	sdelay $0x1  }
0x1a: {  	v11 =	vtrunc.f32 v11  }
0x1b: {  	v11 =	vcvt.f32.s32 v11;
	_ =	sdelay $0x1  }
0x1c: {  	vm0 =	vgt.s32 v11, $0x0  }
0x1d: {  	v11 =	vnsel vm0, $0x0, v11  }
0x1e: {  	v11 =	vmin.u32 v11, $0x7F  }
0x1f: {  	v12 =	vcvt.s32.f32 v11;
	_ =	sdelay $0x1  }
0x20: {  	v12 =	vmul.f32 $1.562500000e-02, v12;
	_ =	sdelay $0x1  }
0x21: {  	v12 =	vadd.f32 $-1.000000000e+00, v12;
	_ =	sdelay $0x1  }
0x22: {  	v10 =	vsub.f32 v10, v12;
	_ =	sdelay $0x1  }
0x23: {  	v10 =	vmul.f32 $1.280000000e+02, v10;
	_ =	sdelay $0x1  }
0x24: {  	v10 =	vadd.f32 $-1.000000000e+00, v10;
	_ =	sdelay $0x1  }
0x25: {  	v54 =	vmul.f32 $5.000000000e-01, v10;
	v13 =	vadd.f32 $-1.000000000e+00, v10  }
0x26: {  	s13 =	simm.s32 $0x0;
	v14 =	vadd.f32 $1.000000000e+00, v10  }
0x27: {  	s15 =	sand.u32 $0xFC0, s13;
	v11 =	vor.u32 s13, v11;
	v10 =	vmul.f32 v10, v10;
	v13 =	vmul.f32 v13, v54  }
0x28: {  	s14 =	simm.s32 $0x3020;
	[tilespmem:s15+$0x1000] =	vst v11;
	v11 =	vmul.f32 v14, v54  }
0x29: {  	v10 =	vsub.f32 $1.000000000e+00, v10;
	[tilespmem:s14+$0xFFFFEFE0] =	vst v13  }
0x2a: {  	[tilespmem:s14+$0xFE0] =	vst v11  }
0x2b: {  	[tilespmem:s14+$0xFFFFFFE0] =	vst v10  }
0x2c: {  	v10 =	vld [tilespmem:s0+$0xFFFFFFF0];
	_ =	sdelay $0x4  }
0x2d: {  	v11 =	vadd.f32 $1.000000000e+00, v10;
	_ =	sdelay $0x1  }
0x2e: {  	v11 =	vmul.f32 $6.400000000e+01, v11;
	_ =	sdelay $0x1  }
0x2f: {  	v11 =	vtrunc.f32 v11  }
0x30: {  	v11 =	vcvt.f32.s32 v11;
	_ =	sdelay $0x1  }
0x31: {  	vm13 =	vgt.s32 v11, $0x0  }
0x32: {  	v11 =	vnsel vm13, $0x0, v11  }
0x33: {  	v11 =	vmin.u32 v11, $0x7F  }
0x34: {  	v55 =	vcvt.s32.f32 v11;
	_ =	sdelay $0x1  }
0x35: {  	v12 =	vmul.f32 $1.562500000e-02, v55;
	_ =	sdelay $0x1  }
0x36: {  	v12 =	vadd.f32 $-1.000000000e+00, v12;
	_ =	sdelay $0x1  }
0x37: {  	v10 =	vsub.f32 v10, v12;
	_ =	sdelay $0x1  }
0x38: {  	v10 =	vmul.f32 $1.280000000e+02, v10;
	_ =	sdelay $0x1  }
0x39: {  	v10 =	vadd.f32 $-1.000000000e+00, v10;
	_ =	sdelay $0x1  }
0x3a: {  	v56 =	vmul.f32 v10, v10  }
0x3b: {  	v57 =	vmul.f32 $5.000000000e-01, v10;
	v58 =	vadd.f32 $1.000000000e+00, v10  }
0x3c: {  	v11 =	vor.u32 s13, v11;
	v10 =	vadd.f32 $-1.000000000e+00, v10;
	v12 =	vsub.f32 $1.000000000e+00, v56  }
0x3d: {  	[tilespmem:s15+$0x1010] =	vst v11;
	v11 =	vmul.f32 v58, v57  }
0x3e: {  	v10 =	vmul.f32 v10, v57;
	[tilespmem:s14+$0xFFFFFFF0] =	vst v12  }
0x3f: {  	[tilespmem:s14+$0xFF0] =	vst v11  }
0x40: {  	[tilespmem:s14+$0xFFFFEFF0] =	vst v10  }
0x41: {  	v10 =	vld [tilespmem:s0+$0x0];
	_ =	sdelay $0x4  }
0x42: {  	v11 =	vadd.f32 $1.000000000e+00, v10;
	_ =	sdelay $0x1  }
0x43: {  	v11 =	vmul.f32 $6.400000000e+01, v11;
	_ =	sdelay $0x1  }
0x44: {  	v11 =	vtrunc.f32 v11  }
0x45: {  	v11 =	vcvt.f32.s32 v11;
	_ =	sdelay $0x1  }
0x46: {  	vm14 =	vgt.s32 v11, $0x0  }
0x47: {  	v11 =	vnsel vm14, $0x0, v11  }
0x48: {  	v11 =	vmin.u32 v11, $0x7F  }
0x49: {  	v59 =	vcvt.s32.f32 v11;
	_ =	sdelay $0x1  }
0x4a: {  	v12 =	vmul.f32 $1.562500000e-02, v59;
	_ =	sdelay $0x1  }
0x4b: {  	v12 =	vadd.f32 $-1.000000000e+00, v12;
	_ =	sdelay $0x1  }
0x4c: {  	v10 =	vsub.f32 v10, v12;
	_ =	sdelay $0x1  }
0x4d: {  	v10 =	vmul.f32 $1.280000000e+02, v10;
	_ =	sdelay $0x1  }
0x4e: {  	v10 =	vadd.f32 $-1.000000000e+00, v10;
	_ =	sdelay $0x1  }
0x4f: {  	v60 =	vmul.f32 $5.000000000e-01, v10;
	v61 =	vadd.f32 $-1.000000000e+00, v10  }
0x50: {  	v62 =	vadd.f32 $1.000000000e+00, v10  }
0x51: {  	v11 =	vor.u32 s13, v11;
	v10 =	vmul.f32 v10, v10;
	v13 =	vmul.f32 v61, v60  }
0x52: {  	[tilespmem:s15+$0x1020] =	vst v11;
	v11 =	vmul.f32 v62, v60  }
0x53: {  	v10 =	vsub.f32 $1.000000000e+00, v10;
	[tilespmem:s14+$0xFFFFF000] =	vst v13  }
0x54: {  	[tilespmem:s14+$0x1000] =	vst v11  }
0x55: {  	[tilespmem:s14+$0x0] =	vst v10  }
0x56: {  	v10 =	vld [tilespmem:s0+$0x10];
	_ =	sdelay $0x4  }
0x57: {  	v11 =	vadd.f32 $1.000000000e+00, v10;
	_ =	sdelay $0x1  }
0x58: {  	v11 =	vmul.f32 $6.400000000e+01, v11;
	_ =	sdelay $0x1  }
0x59: {  	v11 =	vtrunc.f32 v11  }
0x5a: {  	v11 =	vcvt.f32.s32 v11;
	_ =	sdelay $0x1  }
0x5b: {  	vm15 =	vgt.s32 v11, $0x0  }
0x5c: {  	v11 =	vnsel vm15, $0x0, v11  }
0x5d: {  	v11 =	vmin.u32 v11, $0x7F  }
0x5e: {  	v63 =	vcvt.s32.f32 v11;
	_ =	sdelay $0x1  }
0x5f: {  	v12 =	vmul.f32 $1.562500000e-02, v63;
	_ =	sdelay $0x1  }
0x60: {  	v12 =	vadd.f32 $-1.000000000e+00, v12;
	_ =	sdelay $0x1  }
0x61: {  	v10 =	vsub.f32 v10, v12  }
0x62: {  	v11 =	vor.u32 s13, v11  }
0x63: {  	s16 =	simm.s32 $0x40;
	s17 =	simm.s32 $0x0;
	[tilespmem:s15+$0x1030] =	vst v11;
	s15 =	simm.s32 $0x3020;
	v10 =	vmul.f32 $1.280000000e+02, v10  }
.LBB2_4:
0x64: {  	_ = 	snop  }
0x65: {  	s17 =	sadd.s32 $0x80, s17;
	s14 =	sadd.s32 $0x40, s14;
	s0 =	sadd.s32 $0x40, s0;
	v10 =	vadd.f32 $-1.000000000e+00, v10  }
0x66: {  	p0 =	sne.s32 s16, $0xFC0;
	s18 =	smov.u32 s16;
	s16 =	sadd.s32 $0x40, s16  }
0x67: {  	v11 =	vmul.f32 $5.000000000e-01, v10;
	v12 =	vadd.f32 $-1.000000000e+00, v10;
	v13 =	vmul.f32 v10, v10  }
0x68: {  	v10 =	vadd.f32 $1.000000000e+00, v10  }
0x69: {  	v12 =	vmul.f32 v12, v11;
	v13 =	vsub.f32 $1.000000000e+00, v13  }
0x6a: {  	v10 =	vmul.f32 v10, v11  }
0x6b: {  	[tilespmem:s15+$0xFFFFF010] =	vst v12  }
0x6c: {  	[tilespmem:s15+$0x1010] =	vst v10  }
0x6d: {  	[tilespmem:s15+$0x10] =	vst v13;
	s15 =	smov.u32 s14  }
0x6e: {  	v10 =	vld [tilespmem:s0+$0xFFFFFFE0];
	_ =	sdelay $0x4  }
0x6f: {  	v11 =	vadd.f32 $1.000000000e+00, v10;
	_ =	sdelay $0x1  }
0x70: {  	v11 =	vmul.f32 $6.400000000e+01, v11;
	_ =	sdelay $0x1  }
0x71: {  	v11 =	vtrunc.f32 v11  }
0x72: {  	v11 =	vcvt.f32.s32 v11;
	_ =	sdelay $0x1  }
0x73: {  	vm0 =	vgt.s32 v11, $0x0  }
0x74: {  	v11 =	vnsel vm0, $0x0, v11  }
0x75: {  	v11 =	vmin.u32 v11, $0x7F  }
0x76: {  	v12 =	vcvt.s32.f32 v11;
	v11 =	vor.u32 s17, v11;
	_ =	sdelay $0x1  }
0x77: {  	v12 =	vmul.f32 $1.562500000e-02, v12;
	_ =	sdelay $0x1  }
0x78: {  	v12 =	vadd.f32 $-1.000000000e+00, v12;
	_ =	sdelay $0x1  }
0x79: {  	v10 =	vsub.f32 v10, v12;
	_ =	sdelay $0x1  }
0x7a: {  	v10 =	vmul.f32 $1.280000000e+02, v10;
	_ =	sdelay $0x1  }
0x7b: {  	v10 =	vadd.f32 $-1.000000000e+00, v10;
	_ =	sdelay $0x1  }
0x7c: {  	v12 =	vmul.f32 $5.000000000e-01, v10;
	v13 =	vadd.f32 $-1.000000000e+00, v10;
	v14 =	vmul.f32 v10, v10  }
0x7d: {  	v10 =	vadd.f32 $1.000000000e+00, v10  }
0x7e: {  	s18 =	sand.u32 $0xFC0, s18;
	v13 =	vmul.f32 v13, v12;
	v14 =	vsub.f32 $1.000000000e+00, v14  }
0x7f: {  	v10 =	vmul.f32 v10, v12;
	[tilespmem:s18+$0x1000] =	vst v11  }
0x80: {  	[tilespmem:s14+$0xFFFFEFE0] =	vst v13  }
0x81: {  	[tilespmem:s14+$0xFE0] =	vst v10  }
0x82: {  	[tilespmem:s14+$0xFFFFFFE0] =	vst v14  }
0x83: {  	v10 =	vld [tilespmem:s0+$0xFFFFFFF0];
	_ =	sdelay $0x4  }
0x84: {  	v11 =	vadd.f32 $1.000000000e+00, v10;
	_ =	sdelay $0x1  }
0x85: {  	v11 =	vmul.f32 $6.400000000e+01, v11;
	_ =	sdelay $0x1  }
0x86: {  	v11 =	vtrunc.f32 v11  }
0x87: {  	v11 =	vcvt.f32.s32 v11;
	_ =	sdelay $0x1  }
0x88: {  	vm0 =	vgt.s32 v11, $0x0  }
0x89: {  	v11 =	vnsel vm0, $0x0, v11  }
0x8a: {  	v11 =	vmin.u32 v11, $0x7F  }
0x8b: {  	v12 =	vcvt.s32.f32 v11;
	v11 =	vor.u32 s17, v11;
	_ =	sdelay $0x1  }
0x8c: {  	v12 =	vmul.f32 $1.562500000e-02, v12;
	_ =	sdelay $0x1  }
0x8d: {  	v12 =	vadd.f32 $-1.000000000e+00, v12;
	_ =	sdelay $0x1  }
0x8e: {  	v10 =	vsub.f32 v10, v12;
	_ =	sdelay $0x1  }
0x8f: {  	v10 =	vmul.f32 $1.280000000e+02, v10;
	_ =	sdelay $0x1  }
0x90: {  	v10 =	vadd.f32 $-1.000000000e+00, v10;
	_ =	sdelay $0x1  }
0x91: {  	v12 =	vmul.f32 $5.000000000e-01, v10;
	v13 =	vadd.f32 $-1.000000000e+00, v10;
	v14 =	vmul.f32 v10, v10  }
0x92: {  	v10 =	vadd.f32 $1.000000000e+00, v10  }
0x93: {  	v13 =	vmul.f32 v13, v12;
	v14 =	vsub.f32 $1.000000000e+00, v14  }
0x94: {  	v10 =	vmul.f32 v10, v12;
	[tilespmem:s18+$0x1010] =	vst v11  }
0x95: {  	[tilespmem:s14+$0xFFFFFFF0] =	vst v14  }
0x96: {  	[tilespmem:s14+$0xFF0] =	vst v10  }
0x97: {  	[tilespmem:s14+$0xFFFFEFF0] =	vst v13  }
0x98: {  	v10 =	vld [tilespmem:s0+$0x0];
	_ =	sdelay $0x4  }
0x99: {  	v11 =	vadd.f32 $1.000000000e+00, v10;
	_ =	sdelay $0x1  }
0x9a: {  	v11 =	vmul.f32 $6.400000000e+01, v11;
	_ =	sdelay $0x1  }
0x9b: {  	v11 =	vtrunc.f32 v11  }
0x9c: {  	v11 =	vcvt.f32.s32 v11;
	_ =	sdelay $0x1  }
0x9d: {  	vm0 =	vgt.s32 v11, $0x0  }
0x9e: {  	v11 =	vnsel vm0, $0x0, v11  }
0x9f: {  	v11 =	vmin.u32 v11, $0x7F  }
0xa0: {  	v12 =	vcvt.s32.f32 v11;
	v11 =	vor.u32 s17, v11  }
0xa1: {  	[tilespmem:s18+$0x1020] =	vst v11  }
0xa2: {  	v11 =	vmul.f32 $1.562500000e-02, v12;
	_ =	sdelay $0x1  }
0xa3: {  	v11 =	vadd.f32 $-1.000000000e+00, v11;
	_ =	sdelay $0x1  }
0xa4: {  	v10 =	vsub.f32 v10, v11;
	_ =	sdelay $0x1  }
0xa5: {  	v10 =	vmul.f32 $1.280000000e+02, v10;
	_ =	sdelay $0x1  }
0xa6: {  	v10 =	vadd.f32 $-1.000000000e+00, v10;
	_ =	sdelay $0x1  }
0xa7: {  	v11 =	vmul.f32 $5.000000000e-01, v10;
	v12 =	vadd.f32 $-1.000000000e+00, v10;
	v13 =	vmul.f32 v10, v10  }
0xa8: {  	v10 =	vadd.f32 $1.000000000e+00, v10  }
0xa9: {  	v12 =	vmul.f32 v12, v11;
	v13 =	vsub.f32 $1.000000000e+00, v13  }
0xaa: {  	v10 =	vmul.f32 v10, v11  }
0xab: {  	[tilespmem:s14+$0xFFFFF000] =	vst v12  }
0xac: {  	[tilespmem:s14+$0x1000] =	vst v10  }
0xad: {  	[tilespmem:s14+$0x0] =	vst v13  }
0xae: {  	v10 =	vld [tilespmem:s0+$0x10];
	_ =	sdelay $0x4  }
0xaf: {  	v11 =	vadd.f32 $1.000000000e+00, v10;
	_ =	sdelay $0x1  }
0xb0: {  	v11 =	vmul.f32 $6.400000000e+01, v11;
	_ =	sdelay $0x1  }
0xb1: {  	v11 =	vtrunc.f32 v11  }
0xb2: {  	v11 =	vcvt.f32.s32 v11;
	_ =	sdelay $0x1  }
0xb3: {  	vm0 =	vgt.s32 v11, $0x0  }
0xb4: {  	v11 =	vnsel vm0, $0x0, v11  }
0xb5: {  	v11 =	vmin.u32 v11, $0x7F  }
0xb6: {  	v12 =	vcvt.s32.f32 v11;
	v11 =	vor.u32 s17, v11  }
0xb7: {  	[tilespmem:s18+$0x1030] =	vst v11  }
0xb8: {  	v11 =	vmul.f32 $1.562500000e-02, v12;
	_ =	sdelay $0x1  }
.Ltmp1:
0xb9: {  	v11 =	vadd.f32 $-1.000000000e+00, v11;
	(pc) =	sbr.rel @p0 .LBB2_4-.Ltmp1, $3  }
0xba: {  	_ = 	snop  }
0xbb: {  	v10 =	vsub.f32 v10, v11;
	_ =	sdelay $0x1  }
0xbc: {  	v10 =	vmul.f32 $1.280000000e+02, v10  }
0xbd: {  	_ = 	snop  }
0xbe: {  	v10 =	vadd.f32 $-1.000000000e+00, v10;
	_ =	sdelay $0x1  }
0xbf: {  	v11 =	vmul.f32 $5.000000000e-01, v10;
	v12 =	vadd.f32 $-1.000000000e+00, v10  }
0xc0: {  	v13 =	vadd.f32 $1.000000000e+00, v10  }
0xc1: {  	v10 =	vmul.f32 v10, v10;
	v12 =	vmul.f32 v12, v11  }
0xc2: {  	v11 =	vmul.f32 v13, v11  }
0xc3: {  	v10 =	vsub.f32 $1.000000000e+00, v10;
	[tilespmem:s15+$0xFFFFF010] =	vst v12  }
0xc4: {  	[tilespmem:s15+$0x1010] =	vst v11  }
0xc5: {  	[tilespmem:s15+$0x10] =	vst v10  }
.LBB2_6:
0xc6: {  	s0 =	sshll.u32 s13, $0x7  }
0xc7: {  	s0 =	sand.u32 $0x3FFFFF80, s0  }
0xc8: {  	s14 =	sadd.s32 $0x1000, s0;
	s31 =	sadd.s32 $0x2000, s0  }
0xc9: {  	[tilespmem:s9], [sflag:$0x1] =	stream.indirect.gather [hbm4b:s3+s8], $0xC0, s14, s8, $0xb8;
	[tilespmem:$0xC000] =	vst v63  }
0xca: {  	s15 =	sadd.s32 $0x3000, s0;
	v0 =	vmov s31;
	_ =	swait.ge [sflag:s10], $0x6000  }
0xcb: {  	s16 =	sadd.s32 $0x4000, s0;
	[tilespmem:$0x1FF20] =	vst v0;
	v0 =	vmov s15  }
0xcc: {  	s17 =	sadd.s32 $0x2040, s0;
	[tilespmem:$0x1FF30] =	vst v0;
	v0 =	vmov s16  }
0xcd: {  	s18 =	sadd.s32 $0x3040, s0;
	[tilespmem:$0x1FF40] =	vst v0;
	v0 =	vmov s17  }
0xce: {  	s0 =	sadd.s32 $0x4040, s0;
	[tilespmem:$0x1FF50] =	vst v0;
	v0 =	vmov s18  }
0xcf: {  	[sflag:s10] =	ssyncset.done $0x0;
	[tilespmem:$0x1FF60] =	vst v0;
	v0 =	vmov s0  }
0xd0: {  	s14 =	simm.s32 $0x0;
	s15 =	simm.s32 $0x0;
	[sflag:s10] =	ssyncadd.s32 $0xFFFFA000;
	[tilespmem:$0x1FF70] =	vst v0  }
.LBB2_7:
0xd1: {  	s0 =	sand.u32 $0x30, s15  }
0xd2: {  	s31 =	sand.u32 $0x30, s14;
	v19 =	vld [tilespmem:$0x1FF80];
	v16 =	vmov s0  }
0xd3: {  	v17 =	vmov s31;
	v16 =	vmul.u32 $0xC0, v16  }
0xd4: {  	v17 =	vshrl.u32 v17, $0x3  }
0xd5: {  	s17 =	sshll.u32 s31, $0x6;
	v17 =	vshll.u32 v17, v2;
	v16 =	vbroadcast v16, $0x0  }
0xd6: {  	s16 =	sor.u32 $0x1, s31;
	s19 =	sor.u32 $0x2, s31;
	s18 =	sor.u32 s0, s17;
	v0 =	vbroadcast v17, $0x0  }
0xd7: {  	s21 =	sor.u32 $0x3, s31;
	s22 =	sor.u32 $0x4, s31;
	v18 =	vmov s16;
	s16 =	sshll.u32 s16, $0x6;
	v36 =	vld [tilespmem:s18+$0xB000];
	v23 =	vadd.s32 v19, v16  }
0xd8: {  	s24 =	sor.u32 $0x5, s31;
	v21 =	vmov s19;
	s28 =	sshll.u32 s19, $0x6;
	s16 =	sor.u32 s0, s16;
	[tilespmem:$0x1FF10] =	vst v0;
	v57 =	vor.u32 v0, v23;
	v0 =	vld [tilespmem:$0x1FF20]  }
0xd9: {  	s25 =	sor.u32 $0x6, s31;
	s29 =	sshll.u32 s21, $0x6;
	v60 =	vmov s21;
	v62 =	vmov s22;
	v18 =	vshrl.u32 v18, $0x3;
	s20 =	sor.u32 s0, s28;
	v38 =	vld [tilespmem:s16+$0xB000]  }
0xda: {  	s30 =	sshll.u32 s22, $0x6;
	s1 =	sshll.u32 s24, $0x6;
	v12 =	vmov s24;
	v13 =	vmov s25;
	s17 =	sor.u32 s0, s29;
	v56 =	vshll.u32 v18, v2;
	v37 =	vld [tilespmem:s20+$0xB000]  }
0xdb: {  	s26 =	sshll.u32 s25, $0x6;
	v21 =	vshrl.u32 v21, $0x3;
	s19 =	sor.u32 s0, s30;
	v61 =	vshrl.u32 v60, $0x3;
	s28 =	sor.u32 $0x7, s31;
	v44 =	vld [tilespmem:s17+$0xB000];
	v20 =	vbroadcast v56, $0x0  }
0xdc: {  	s23 =	sor.u32 s0, s1;
	s21 =	sor.u32 s0, s26;
	v63 =	vshrl.u32 v62, $0x3;
	s29 =	sor.u32 $0x8, s31;
	v59 =	vshll.u32 v21, v2;
	v46 =	vld [tilespmem:s19+$0xB000];
	v34 =	vadd.s32 v3, v16  }
0xdd: {  	s30 =	sor.u32 $0x9, s31;
	v50 =	vld [tilespmem:s23+$0xB000];
	s26 =	sshll.u32 s29, $0x6;
	v14 =	vmov s28;
	v31 =	vmov s29;
	s29 =	sor.u32 $0xC, s31;
	v58 =	vor.u32 v20, v34  }
0xde: {  	v45 =	vld [tilespmem:s21+$0xB000];
	s1 =	sshll.u32 s30, $0x6;
	v32 =	vmov s30;
	s30 =	sor.u32 $0xD, s31;
	v22 =	vbroadcast v59, $0x0;
	v59 =	vmov s29  }
0xdf: {  	s11 =	sshll.u32 s28, $0x6;
	v60 =	vmov s30;
	v21 =	vshrl.u32 v14, $0x3;
	v31 =	vshrl.u32 v31, $0x3;
	v17 =	vld.idx.msk [tilespmem:v57+s9+$0x0], $0xffff  }
0xe0: {  	s22 =	sor.u32 s0, s11;
	s11 =	sor.u32 $0xA, s31;
	v32 =	vshrl.u32 v32, $0x3;
	v39 =	vadd.s32 v4, v16;
	v40 =	vadd.s32 v5, v16;
	v26 =	vld.idx.msk [tilespmem:v0+s0+$0x0 ss:$0x1], $0xffff  }
0xe1: {  	v56 =	vadd.s32 v6, v16;
	v35 =	vmov s11;
	v1 =	vadd.s32 v7, v16;
	v0 =	vld [tilespmem:$0x1FF30]  }
0xe2: {  	v4 =	vadd.s32 v8, v16;
	v7 =	vadd.s32 v9, v16;
	v16 =	vshll.u32 v31, v2;
	v18 =	vld.idx.msk [tilespmem:v58+s9+$0x0], $0xffff  }
0xe3: {  	s26 =	sor.u32 s0, s26;
	v48 =	vld [tilespmem:s22+$0xB000];
	s25 =	sshll.u32 s11, $0x6;
	s11 =	sor.u32 $0x88, s31;
	v32 =	vshll.u32 v32, v2;
	v59 =	vshrl.u32 v59, $0x3;
	v60 =	vshrl.u32 v60, $0x3  }
0xe4: {  	s24 =	sor.u32 s0, s1;
	s30 =	sshll.u32 s30, $0x6;
	v52 =	vld [tilespmem:s26+$0xB000];
	v43 =	vmov s11;
	s11 =	sor.u32 $0x40, s0;
	v32 =	vbroadcast v32, $0x0;
	v35 =	vshrl.u32 v35, $0x3  }
0xe5: {  	s1 =	sor.u32 $0xB, s31;
	v51 =	vld [tilespmem:s24+$0xB000];
	s30 =	sor.u32 s0, s30;
	v33 =	vor.u32 v22, v39;
	v42 =	vmov s11;
	v35 =	vshll.u32 v35, v2  }
0xe6: {  	s28 =	sshll.u32 s1, $0x6;
	s25 =	sor.u32 s0, s25;
	v55 =	vld [tilespmem:s30+$0xB000];
	v35 =	vbroadcast v35, $0x0;
	v14 =	vor.u32 v32, v34;
	v58 =	vmov s1  }
0xe7: {  	s28 =	sor.u32 s0, s28;
	v53 =	vld [tilespmem:s25+$0xB000];
	v47 =	vmul.f32 v17, v26;
	v49 =	vmul.f32 v18, v26;
	v17 =	vshll.u32 v61, v2  }
0xe8: {  	v54 =	vld [tilespmem:s28+$0xB000];
	s1 =	sor.u32 $0x40, s31;
	v18 =	vshrl.u32 v12, $0x3;
	v24 =	vbroadcast v17, $0x0;
	v17 =	vshll.u32 v63, v2  }
0xe9: {  	v61 =	vmov s1;
	s1 =	sor.u32 $0x48, s31;
	v18 =	vshll.u32 v18, v2;
	v25 =	vbroadcast v17, $0x0;
	v30 =	vld.idx.msk [tilespmem:v0+s0+$0x0 ss:$0x1], $0xffff  }
0xea: {  	s29 =	sshll.u32 s29, $0x6;
	v62 =	vmov s1;
	s1 =	sor.u32 $0x80, s31;
	v27 =	vbroadcast v18, $0x0;
	v41 =	vor.u32 v24, v40;
	v0 =	vld [tilespmem:$0x1FF40]  }
0xeb: {  	s29 =	sor.u32 s0, s29;
	v58 =	vshrl.u32 v58, $0x3;
	v14 =	vld.idx.msk [tilespmem:v14+s9+$0x0], $0xffff;
	v3 =	vmov s1;
	s1 =	sor.u32 $0xE, s31;
	v57 =	vor.u32 v25, v56  }
0xec: {  	v58 =	vshll.u32 v58, v2;
	v63 =	vld [tilespmem:s29+$0xB000];
	v8 =	vmov s1;
	s1 =	sshll.u32 s1, $0x6;
	v5 =	vor.u32 v27, v1  }
0xed: {  	s11 =	sor.u32 $0xF, s31;
	v17 =	vshrl.u32 v13, $0x3;
	v13 =	vld.idx.msk [tilespmem:v33+s9+$0x0], $0xffff;
	v33 =	vbroadcast v58, $0x0;
	v58 =	vshll.u32 v59, v2;
	s31 =	sor.u32 s0, s1  }
0xee: {  	v31 =	vbroadcast v16, $0x0;
	v17 =	vshll.u32 v17, v2;
	v34 =	vbroadcast v58, $0x0;
	v11 =	vld [tilespmem:s31+$0xB000]  }
0xef: {  	v58 =	vor.u32 v35, v39;
	v28 =	vbroadcast v17, $0x0;
	v15 =	vor.u32 v33, v40;
	v59 =	vld.idx.msk [tilespmem:v41+s9+$0x0], $0xffff  }
0xf0: {  	v39 =	vshll.u32 v60, v2;
	v17 =	vshll.u32 v21, v2;
	v56 =	vor.u32 v34, v56;
	v57 =	vld.idx.msk [tilespmem:v57+s9+$0x0], $0xffff  }
0xf1: {  	v8 =	vshrl.u32 v8, $0x3;
	v39 =	vbroadcast v39, $0x0;
	v6 =	vor.u32 v28, v4;
	v5 =	vld.idx.msk [tilespmem:v5+s9+$0x0], $0xffff  }
0xf2: {  	v29 =	vbroadcast v17, $0x0;
	v8 =	vshll.u32 v8, v2;
	v41 =	vor.u32 v23, v31;
	v21 =	vld.idx.msk [tilespmem:v0+s0+$0x0 ss:$0x1], $0xffff  }
0xf3: {  	v40 =	vbroadcast v8, $0x0;
	v1 =	vor.u32 v39, v1;
	v0 =	vld [tilespmem:$0x1FF50]  }
0xf4: {  	v9 =	vmov s11;
	v10 =	vor.u32 v29, v7;
	v15 =	vld.idx.msk [tilespmem:v15+s9+$0x0], $0xffff  }
0xf5: {  	v9 =	vshrl.u32 v9, $0x3;
	v4 =	vor.u32 v40, v4;
	v56 =	vld.idx.msk [tilespmem:v56+s9+$0x0], $0xffff  }
0xf6: {  	v8 =	vshll.u32 v9, v2;
	v9 =	vshrl.u32 v61, $0x3;
	v6 =	vld.idx.msk [tilespmem:v6+s9+$0x0], $0xffff  }
0xf7: {  	v60 =	vld.idx.msk [tilespmem:v41+s9+$0x0], $0xffff;
	v41 =	vbroadcast v8, $0x0;
	v8 =	vshll.u32 v9, v2  }
0xf8: {  	v43 =	vshrl.u32 v43, $0x3;
	v1 =	vld.idx.msk [tilespmem:v1+s9+$0x0], $0xffff;
	v9 =	vadd.f32 v47, v36;
	v36 =	vbroadcast v8, $0x0  }
0xf9: {  	v14 =	vmul.f32 v14, v26;
	v13 =	vmul.f32 v13, v26;
	v10 =	vld.idx.msk [tilespmem:v10+s9+$0x0], $0xffff;
	v7 =	vor.u32 v41, v7  }
0xfa: {  	v47 =	vmul.f32 v59, v26;
	v4 =	vld.idx.msk [tilespmem:v4+s9+$0x0], $0xffff;
	v61 =	vmul.f32 v57, v26;
	v57 =	vadd.s32 v23, v36  }
0xfb: {  	v14 =	vadd.f32 v14, v51;
	v13 =	vadd.f32 v13, v37;
	v37 =	vor.u32 $0x1, v57;
	v18 =	vld.idx.msk [tilespmem:v0+s0+$0x0 ss:$0x1], $0xffff  }
0xfc: {  	v5 =	vmul.f32 v5, v26;
	v44 =	vadd.f32 v47, v44;
	v47 =	vor.u32 $0x2, v57;
	v0 =	vld [tilespmem:$0x1FF60]  }
0xfd: {  	v3 =	vshrl.u32 v3, $0x3;
	v8 =	vadd.f32 v49, v38;
	v38 =	vld.idx.msk [tilespmem:v58+s9+$0x0], $0xffff;
	v49 =	vor.u32 $0x3, v57  }
0xfe: {  	v5 =	vadd.f32 v5, v50;
	v6 =	vmul.f32 v6, v26;
	v50 =	vor.u32 $0x4, v57;
	v7 =	vld.idx.msk [tilespmem:v7+s9+$0x0], $0xffff  }
0xff: {  	v3 =	vshll.u32 v3, v2;
	v58 =	vshrl.u32 v62, $0x3;
	v59 =	vmul.f32 v60, v26;
	v60 =	vld.idx.msk [tilespmem:v57+s9+$0x0], $0xffff  }
0x100: {  	v15 =	vmul.f32 v15, v26;
	v58 =	vshll.u32 v58, v2;
	v6 =	vadd.f32 v6, v45;
	v45 =	vld.idx.msk [tilespmem:v37+s9+$0x0], $0xffff  }
0x101: {  	v46 =	vadd.f32 v61, v46;
	v10 =	vmul.f32 v10, v26;
	v61 =	vor.u32 $0x5, v57;
	v47 =	vld.idx.msk [tilespmem:v47+s9+$0x0], $0xffff  }
0x102: {  	v56 =	vmul.f32 v56, v26;
	v62 =	vor.u32 $0x6, v57;
	v37 =	vbroadcast v58, $0x0;
	v49 =	vld.idx.msk [tilespmem:v49+s9+$0x0], $0xffff  }
0x103: {  	v10 =	vadd.f32 v10, v48;
	v48 =	vadd.f32 v59, v52;
	v52 =	vor.u32 $0x7, v57;
	v50 =	vld.idx.msk [tilespmem:v50+s9+$0x0], $0xffff  }
0x104: {  	v15 =	vadd.f32 v15, v54;
	v38 =	vmul.f32 v38, v26;
	v57 =	vadd.s32 v23, v37;
	v17 =	vld.idx.msk [tilespmem:v0+s0+$0x0 ss:$0x1], $0xffff  }
0x105: {  	v1 =	vmul.f32 v1, v26;
	v4 =	vmul.f32 v4, v26;
	v59 =	vor.u32 $0x2, v57;
	v0 =	vld [tilespmem:$0x1FF70]  }
0x106: {  	v54 =	vadd.f32 v56, v63;
	v51 =	vadd.f32 v38, v53;
	v53 =	vld.idx.msk [tilespmem:v61+s9+$0x0], $0xffff;
	v58 =	vor.u32 $0x1, v57  }
0x107: {  	v38 =	vbroadcast v3, $0x0;
	v3 =	vadd.f32 v4, v11;
	v56 =	vld.idx.msk [tilespmem:v62+s9+$0x0], $0xffff;
	v11 =	vor.u32 $0x7, v57  }
0x108: {  	v43 =	vshll.u32 v43, v2;
	v52 =	vld.idx.msk [tilespmem:v52+s9+$0x0], $0xffff;
	v4 =	vmul.f32 v7, v26;
	v26 =	vmul.f32 v60, v30  }
0x109: {  	v1 =	vadd.f32 v1, v55;
	v61 =	vor.u32 $0x3, v57;
	v45 =	vmul.f32 v45, v30;
	v63 =	vld.idx.msk [tilespmem:v57+s9+$0x0], $0xffff  }
0x10a: {  	v9 =	vadd.f32 v26, v9;
	v26 =	vmul.f32 v50, v30;
	v7 =	vld.idx.msk [tilespmem:v59+s9+$0x0], $0xffff;
	v59 =	vadd.s32 v23, v38  }
0x10b: {  	v62 =	vor.u32 $0x4, v57;
	v8 =	vadd.f32 v45, v8;
	v55 =	vld.idx.msk [tilespmem:v58+s9+$0x0], $0xffff;
	v60 =	vor.u32 $0x1, v59  }
0x10c: {  	v58 =	vor.u32 $0x6, v57;
	v11 =	vld.idx.msk [tilespmem:v11+s9+$0x0], $0xffff;
	v46 =	vadd.f32 v26, v46;
	v45 =	vor.u32 $0x2, v59  }
0x10d: {  	s11 =	sshll.u32 s11, $0x6;
	v26 =	vbroadcast v43, $0x0;
	v43 =	vmul.f32 v53, v30;
	v50 =	vor.u32 $0x4, v59;
	v16 =	vld.idx.msk [tilespmem:v0+s0+$0x0 ss:$0x1], $0xffff  }
0x10e: {  	v53 =	vmul.f32 v56, v30;
	v56 =	vor.u32 $0x7, v59;
	s0 =	sor.u32 s0, s11;
	v0 =	vor.u32 $0x5, v57;
	v57 =	vld.idx.msk [tilespmem:v61+s9+$0x0], $0xffff  }
0x10f: {  	v23 =	vadd.s32 v23, v26;
	v12 =	vld [tilespmem:s0+$0xB000]  }
0x110: {  	v6 =	vadd.f32 v53, v6;
	v53 =	vor.u32 $0x2, v23;
	v60 =	vld.idx.msk [tilespmem:v60+s9+$0x0], $0xffff  }
0x111: {  	v45 =	vld.idx.msk [tilespmem:v45+s9+$0x0], $0xffff  }
0x112: {  	v5 =	vadd.f32 v43, v5;
	v55 =	vmul.f32 v55, v30;
	v43 =	vld.idx.msk [tilespmem:v50+s9+$0x0], $0xffff  }
0x113: {  	v56 =	vld.idx.msk [tilespmem:v56+s9+$0x0], $0xffff  }
0x114: {  	v61 =	vor.u32 $0x5, v59;
	v7 =	vmul.f32 v7, v30;
	v14 =	vadd.f32 v55, v14;
	v55 =	vld.idx.msk [tilespmem:v23+s9+$0x0], $0xffff  }
0x115: {  	v42 =	vmul.u32 $0xC0, v42;
	v50 =	vor.u32 $0x1, v23;
	v53 =	vld.idx.msk [tilespmem:v53+s9+$0x0], $0xffff  }
0x116: {  	v52 =	vmul.f32 v52, v30;
	v7 =	vadd.f32 v7, v51;
	v51 =	vor.u32 $0x6, v23;
	v0 =	vld.idx.msk [tilespmem:v0+s9+$0x0], $0xffff  }
0x117: {  	v4 =	vadd.f32 v4, v12;
	v12 =	vmul.f32 v47, v30;
	v47 =	vld.idx.msk [tilespmem:v62+s9+$0x0], $0xffff;
	v62 =	vmul.f32 v49, v30  }
0x118: {  	v10 =	vadd.f32 v52, v10;
	v63 =	vmul.f32 v63, v30;
	v49 =	vld.idx.msk [tilespmem:v58+s9+$0x0], $0xffff;
	v58 =	vor.u32 $0x3, v59  }
0x119: {  	v52 =	vld.idx.msk [tilespmem:v61+s9+$0x0], $0xffff;
	v12 =	vadd.f32 v12, v13;
	v13 =	vadd.f32 v62, v44;
	v62 =	vor.u32 $0x6, v59  }
0x11a: {  	v48 =	vadd.f32 v63, v48;
	v63 =	vor.u32 $0x5, v23;
	v57 =	vmul.f32 v57, v30;
	v50 =	vld.idx.msk [tilespmem:v50+s9+$0x0], $0xffff  }
0x11b: {  	v11 =	vmul.f32 v11, v30;
	v61 =	vor.u32 $0x3, v23;
	v51 =	vld.idx.msk [tilespmem:v51+s9+$0x0], $0xffff  }
0x11c: {  	v42 =	vbroadcast v42, $0x0;
	v15 =	vadd.f32 v57, v15;
	v57 =	vor.u32 $0x7, v23;
	v44 =	vld.idx.msk [tilespmem:v59+s9+$0x0], $0xffff  }
0x11d: {  	v43 =	vmul.f32 v43, v21;
	v4 =	vadd.f32 v11, v4;
	v0 =	vmul.f32 v0, v30;
	v58 =	vld.idx.msk [tilespmem:v58+s9+$0x0], $0xffff  }
0x11e: {  	v52 =	vmul.f32 v52, v21;
	v59 =	vld.idx.msk [tilespmem:v62+s9+$0x0], $0xffff;
	v62 =	vor.u32 $0x4, v23;
	v23 =	vadd.s32 v19, v42  }
0x11f: {  	v47 =	vmul.f32 v47, v30;
	v0 =	vadd.f32 v0, v1;
	v1 =	vld.idx.msk [tilespmem:v63+s9+$0x0], $0xffff;
	v31 =	vor.u32 v31, v23  }
0x120: {  	v49 =	vmul.f32 v49, v30;
	v42 =	vld.idx.msk [tilespmem:v61+s9+$0x0], $0xffff;
	v20 =	vor.u32 v23, v20;
	v36 =	vadd.s32 v36, v23  }
0x121: {  	v30 =	vld.idx.msk [tilespmem:v57+s9+$0x0], $0xffff;
	v47 =	vadd.f32 v47, v54;
	v22 =	vor.u32 v23, v22;
	v20 =	vor.u32 $0x1, v20  }
0x122: {  	v61 =	vld [tilespmem:$0x1FF10];
	v3 =	vadd.f32 v49, v3;
	v24 =	vor.u32 v23, v24;
	v22 =	vor.u32 $0x2, v22  }
0x123: {  	v25 =	vor.u32 v23, v25;
	v27 =	vor.u32 v23, v27;
	v24 =	vor.u32 $0x3, v24;
	v54 =	vld.idx.msk [tilespmem:v62+s9+$0x0], $0xffff  }
0x124: {  	v28 =	vor.u32 v23, v28;
	v25 =	vor.u32 $0x4, v25;
	v49 =	vmul.f32 v58, v21;
	v31 =	vld.idx.msk [tilespmem:v31+s9+$0x0], $0xffff  }
0x125: {  	v27 =	vor.u32 $0x5, v27;
	v58 =	vmul.f32 v56, v21;
	v56 =	vmul.f32 v42, v21;
	v42 =	vld.idx.msk [tilespmem:v36+s9+$0x0], $0xffff  }
0x126: {  	v43 =	vadd.f32 v43, v46;
	v29 =	vor.u32 v23, v29;
	v28 =	vor.u32 $0x6, v28;
	v20 =	vld.idx.msk [tilespmem:v20+s9+$0x0], $0xffff  }
0x127: {  	v5 =	vadd.f32 v52, v5;
	v32 =	vor.u32 v23, v32;
	v57 =	vor.u32 $0x7, v29;
	v11 =	vld.idx.msk [tilespmem:v22+s9+$0x0], $0xffff  }
0x128: {  	v44 =	vmul.f32 v44, v21;
	v35 =	vor.u32 v23, v35;
	v32 =	vor.u32 $0x1, v32;
	v24 =	vld.idx.msk [tilespmem:v24+s9+$0x0], $0xffff  }
0x129: {  	v33 =	vor.u32 v23, v33;
	v34 =	vor.u32 v23, v34;
	v63 =	vor.u32 $0x2, v35;
	v25 =	vld.idx.msk [tilespmem:v25+s9+$0x0], $0xffff  }
0x12a: {  	v39 =	vor.u32 v23, v39;
	v40 =	vor.u32 v23, v40;
	v33 =	vor.u32 $0x3, v33;
	v27 =	vld.idx.msk [tilespmem:v27+s9+$0x0], $0xffff  }
0x12b: {  	v41 =	vor.u32 v23, v41;
	v37 =	vadd.s32 v37, v23;
	v34 =	vor.u32 $0x4, v34;
	v28 =	vld.idx.msk [tilespmem:v28+s9+$0x0], $0xffff  }
0x12c: {  	v38 =	vadd.s32 v38, v23;
	v9 =	vadd.f32 v44, v9;
	v39 =	vor.u32 $0x5, v39;
	v22 =	vld.idx.msk [tilespmem:v57+s9+$0x0], $0xffff  }
0x12d: {  	v40 =	vor.u32 $0x6, v40;
	v41 =	vor.u32 $0x7, v41;
	v44 =	vor.u32 $0x1, v36;
	v32 =	vld.idx.msk [tilespmem:v32+s9+$0x0], $0xffff  }
0x12e: {  	v52 =	vor.u32 $0x4, v38;
	v1 =	vmul.f32 v1, v21;
	v19 =	vor.u32 v61, v23;
	v29 =	vld.idx.msk [tilespmem:v63+s9+$0x0], $0xffff  }
0x12f: {  	v61 =	vmul.f32 v60, v21;
	v62 =	vmul.f32 v45, v21;
	v13 =	vadd.f32 v49, v13;
	v33 =	vld.idx.msk [tilespmem:v33+s9+$0x0], $0xffff  }
0x130: {  	v60 =	vmul.f32 v50, v21;
	v49 =	vor.u32 $0x2, v36;
	v23 =	vadd.s32 v26, v23;
	v34 =	vld.idx.msk [tilespmem:v34+s9+$0x0], $0xffff  }
0x131: {  	v10 =	vadd.f32 v58, v10;
	v0 =	vadd.f32 v1, v0;
	v26 =	vor.u32 $0x1, v23;
	v39 =	vld.idx.msk [tilespmem:v39+s9+$0x0], $0xffff  }
0x132: {  	v50 =	vor.u32 $0x6, v23;
	v8 =	vadd.f32 v61, v8;
	v57 =	vmul.f32 v59, v21;
	v40 =	vld.idx.msk [tilespmem:v40+s9+$0x0], $0xffff  }
0x133: {  	v12 =	vadd.f32 v62, v12;
	v59 =	vmul.f32 v55, v21;
	v61 =	vmul.f32 v53, v21;
	v41 =	vld.idx.msk [tilespmem:v41+s9+$0x0], $0xffff  }
0x134: {  	v62 =	vor.u32 $0x3, v36;
	v14 =	vadd.f32 v60, v14;
	v63 =	vor.u32 $0x4, v36;
	v44 =	vld.idx.msk [tilespmem:v44+s9+$0x0], $0xffff  }
0x135: {  	v15 =	vadd.f32 v56, v15;
	v60 =	vmul.f32 v51, v21;
	v6 =	vadd.f32 v57, v6;
	v19 =	vld.idx.msk [tilespmem:v19+s9+$0x0], $0xffff  }
0x136: {  	v56 =	vor.u32 $0x5, v37;
	v45 =	vadd.f32 v59, v48;
	v7 =	vadd.f32 v61, v7;
	v49 =	vld.idx.msk [tilespmem:v49+s9+$0x0], $0xffff  }
0x137: {  	v57 =	vor.u32 $0x5, v36;
	v59 =	vor.u32 $0x6, v36;
	v36 =	vor.u32 $0x7, v36;
	v48 =	vld.idx.msk [tilespmem:v23+s9+$0x0], $0xffff  }
0x138: {  	v3 =	vadd.f32 v60, v3;
	v61 =	vor.u32 $0x1, v37;
	v58 =	vmul.f32 v54, v21;
	v26 =	vld.idx.msk [tilespmem:v26+s9+$0x0], $0xffff  }
0x139: {  	v60 =	vor.u32 $0x1, v38;
	v21 =	vmul.f32 v30, v21;
	v54 =	vor.u32 $0x4, v37;
	v1 =	vld.idx.msk [tilespmem:v62+s9+$0x0], $0xffff  }
0x13a: {  	v31 =	vmul.f32 v31, v18;
	v47 =	vadd.f32 v58, v47;
	v30 =	vld.idx.msk [tilespmem:v63+s9+$0x0], $0xffff;
	v20 =	vmul.f32 v20, v18  }
0x13b: {  	v62 =	vor.u32 $0x2, v37;
	v11 =	vmul.f32 v11, v18;
	v55 =	vmul.f32 v24, v18;
	v24 =	vld.idx.msk [tilespmem:v37+s9+$0x0], $0xffff  }
0x13c: {  	v4 =	vadd.f32 v21, v4;
	v25 =	vmul.f32 v25, v18;
	v53 =	vmul.f32 v33, v18;
	v33 =	vld.idx.msk [tilespmem:v38+s9+$0x0], $0xffff  }
0x13d: {  	v63 =	vor.u32 $0x3, v37;
	v27 =	vmul.f32 v27, v18;
	v58 =	vmul.f32 v28, v18;
	v46 =	vld.idx.msk [tilespmem:v57+s9+$0x0], $0xffff  }
0x13e: {  	v32 =	vmul.f32 v32, v18;
	v34 =	vmul.f32 v34, v18;
	v31 =	vadd.f32 v31, v45;
	v21 =	vld.idx.msk [tilespmem:v59+s9+$0x0], $0xffff  }
0x13f: {  	v39 =	vmul.f32 v39, v18;
	v8 =	vadd.f32 v20, v8;
	v11 =	vadd.f32 v11, v12;
	v35 =	vld.idx.msk [tilespmem:v61+s9+$0x0], $0xffff  }
0x140: {  	v12 =	vadd.f32 v55, v13;
	v59 =	vmul.f32 v22, v18;
	v22 =	vld.idx.msk [tilespmem:v60+s9+$0x0], $0xffff;
	v19 =	vmul.f32 v19, v18  }
0x141: {  	v57 =	vor.u32 $0x6, v37;
	v25 =	vadd.f32 v25, v43;
	v5 =	vadd.f32 v27, v5;
	v20 =	vld.idx.msk [tilespmem:v54+s9+$0x0], $0xffff  }
0x142: {  	v37 =	vor.u32 $0x7, v37;
	v6 =	vadd.f32 v58, v6;
	v9 =	vadd.f32 v19, v9;
	v19 =	vld.idx.msk [tilespmem:v36+s9+$0x0], $0xffff  }
0x143: {  	v61 =	vor.u32 $0x2, v38;
	v14 =	vadd.f32 v32, v14;
	v13 =	vadd.f32 v53, v15;
	v28 =	vld.idx.msk [tilespmem:v62+s9+$0x0], $0xffff  }
0x144: {  	v55 =	vor.u32 $0x6, v38;
	v34 =	vadd.f32 v34, v47;
	v0 =	vadd.f32 v39, v0;
	v27 =	vld.idx.msk [tilespmem:v63+s9+$0x0], $0xffff  }
0x145: {  	v58 =	vmul.f32 v42, v17;
	v60 =	vor.u32 $0x2, v23;
	v54 =	vor.u32 $0x5, v38;
	v36 =	vld.idx.msk [tilespmem:v56+s9+$0x0], $0xffff  }
0x146: {  	v10 =	vadd.f32 v59, v10;
	v59 =	vmul.f32 v44, v17;
	v62 =	vmul.f32 v29, v18;
	v29 =	vld.idx.msk [tilespmem:v57+s9+$0x0], $0xffff  }
0x147: {  	v63 =	vor.u32 $0x3, v38;
	v56 =	vmul.f32 v40, v18;
	v38 =	vor.u32 $0x7, v38;
	v32 =	vld.idx.msk [tilespmem:v37+s9+$0x0], $0xffff  }
0x148: {  	v1 =	vmul.f32 v1, v17;
	v30 =	vmul.f32 v30, v17;
	v8 =	vadd.f32 v59, v8;
	v40 =	vld.idx.msk [tilespmem:v61+s9+$0x0], $0xffff  }
0x149: {  	v7 =	vadd.f32 v62, v7;
	v3 =	vadd.f32 v56, v3;
	v57 =	vmul.f32 v41, v18;
	v18 =	vld.idx.msk [tilespmem:v52+s9+$0x0], $0xffff  }
0x14a: {  	v61 =	vmul.f32 v49, v17;
	v44 =	vld.idx.msk [tilespmem:v55+s9+$0x0], $0xffff;
	v62 =	vor.u32 $0x3, v23;
	v9 =	vadd.f32 v58, v9  }
0x14b: {  	v49 =	vor.u32 $0x5, v23;
	v46 =	vmul.f32 v46, v17;
	v1 =	vadd.f32 v1, v12;
	v52 =	vld.idx.msk [tilespmem:v60+s9+$0x0], $0xffff  }
0x14c: {  	v51 =	vmul.f32 v21, v17;
	v25 =	vadd.f32 v30, v25;
	v55 =	vmul.f32 v33, v16;
	v42 =	vld.idx.msk [tilespmem:v54+s9+$0x0], $0xffff  }
0x14d: {  	v22 =	vmul.f32 v22, v16;
	v54 =	vmul.f32 v24, v17;
	v39 =	vld.idx.msk [tilespmem:v63+s9+$0x0], $0xffff;
	v63 =	vor.u32 $0x4, v23  }
0x14e: {  	v60 =	vld.idx.msk [tilespmem:v50+s9+$0x0], $0xffff;
	v4 =	vadd.f32 v57, v4;
	v11 =	vadd.f32 v61, v11;
	v23 =	vor.u32 $0x7, v23  }
0x14f: {  	v5 =	vadd.f32 v46, v5;
	v6 =	vadd.f32 v51, v6;
	v57 =	vmul.f32 v35, v17;
	v37 =	vld.idx.msk [tilespmem:v38+s9+$0x0], $0xffff  }
0x150: {  	v9 =	vadd.f32 v55, v9;
	v8 =	vadd.f32 v22, v8;
	v19 =	vmul.f32 v19, v17;
	v53 =	vld.idx.msk [tilespmem:v62+s9+$0x0], $0xffff  }
0x151: {  	v12 =	vadd.f32 v54, v31;
	v14 =	vadd.f32 v57, v14;
	v58 =	vld.idx.msk [tilespmem:v49+s9+$0x0], $0xffff;
	v59 =	vmul.f32 v40, v16  }
0x152: {  	v10 =	vadd.f32 v19, v10;
	v18 =	vmul.f32 v18, v16;
	v56 =	vld.idx.msk [tilespmem:v63+s9+$0x0], $0xffff;
	v61 =	vmul.f32 v39, v16  }
0x153: {  	v11 =	vadd.f32 v59, v11;
	v62 =	vld.idx.msk [tilespmem:v23+s9+$0x0], $0xffff;
	[tilespmem:s18+$0xB000] =	vst v9;
	v9 =	vmul.f32 v28, v17  }
0x154: {  	v63 =	vmul.f32 v42, v16;
	[tilespmem:s16+$0xB000] =	vst v8;
	v8 =	vmul.f32 v27, v17;
	v1 =	vadd.f32 v61, v1  }
0x155: {  	[tilespmem:s20+$0xB000] =	vst v11;
	v7 =	vadd.f32 v9, v7;
	v9 =	vadd.f32 v18, v25;
	v11 =	vmul.f32 v44, v16  }
0x156: {  	v5 =	vadd.f32 v63, v5;
	[tilespmem:s17+$0xB000] =	vst v1;
	v1 =	vadd.f32 v8, v13;
	v8 =	vmul.f32 v37, v16  }
0x157: {  	v6 =	vadd.f32 v11, v6;
	v11 =	vmul.f32 v48, v16;
	[tilespmem:s19+$0xB000] =	vst v9;
	v9 =	vmul.f32 v20, v17  }
0x158: {  	[tilespmem:s23+$0xB000] =	vst v5;
	v5 =	vmul.f32 v36, v17;
	v8 =	vadd.f32 v8, v10;
	v10 =	vmul.f32 v26, v16  }
0x159: {  	[tilespmem:s21+$0xB000] =	vst v6;
	v6 =	vadd.f32 v9, v34;
	v9 =	vadd.f32 v11, v12;
	v11 =	vmul.f32 v52, v16  }
0x15a: {  	[tilespmem:s22+$0xB000] =	vst v8;
	v0 =	vadd.f32 v5, v0;
	v5 =	vadd.f32 v10, v14;
	v8 =	vmul.f32 v53, v16  }
0x15b: {  	[tilespmem:s26+$0xB000] =	vst v9;
	v9 =	vmul.f32 v29, v17;
	v7 =	vadd.f32 v11, v7  }
0x15c: {  	v10 =	vmul.f32 v56, v16;
	[tilespmem:s24+$0xB000] =	vst v5;
	v5 =	vmul.f32 v32, v17;
	v1 =	vadd.f32 v8, v1  }
0x15d: {  	v8 =	vmul.f32 v58, v16;
	[tilespmem:s25+$0xB000] =	vst v7;
	v3 =	vadd.f32 v9, v3;
	v9 =	vld [tilespmem:$0x1FFF0]  }
0x15e: {  	p0 =	sne.s32 s15, $0x3C;
	v6 =	vadd.f32 v10, v6;
	v7 =	vmul.f32 v60, v16;
	[tilespmem:s28+$0xB000] =	vst v1;
	v1 =	vadd.f32 v5, v4;
	v5 =	vld [tilespmem:$0x1FFB0]  }
.Ltmp2:
0x15f: {  	v0 =	vadd.f32 v8, v0;
	v8 =	vld [tilespmem:$0x1FFE0];
	v4 =	vmul.f32 v62, v16;
	(pc) =	sbr.rel @p0 .LBB2_7-.Ltmp2, $4  }
0x160: {  	[tilespmem:s29+$0xB000] =	vst v6;
	v6 =	vld [tilespmem:$0x1FFC0];
	v3 =	vadd.f32 v7, v3  }
0x161: {  	v7 =	vld [tilespmem:$0x1FFD0];
	[tilespmem:s30+$0xB000] =	vst v0;
	v0 =	vadd.f32 v4, v1  }
0x162: {  	v4 =	vld [tilespmem:$0x1FFA0];
	[tilespmem:s31+$0xB000] =	vst v3  }
0x163: {  	s14 =	sadd.s32 $0x10, s14;
	s15 =	sadd.s32 $0x4, s15;
	v3 =	vld [tilespmem:$0x1FF90];
	[tilespmem:s0+$0xB000] =	vst v0  }
0x164: {  	s13 =	sadd.s32 $0x1, s13  }
0x165: {  	p0 =	sne.s32 s13, $0x20  }
.Ltmp3:
0x166: {  	_ = 	snop;
	(pc) =	sbr.rel @p0 .LBB2_6-.Ltmp3, $1  }
0x167: {  	_ =	sdelay $0x3  }
0x168: {  	s12 =	sadd.s32 $0x1, s12  }
0x169: {  	p0 =	sne.s32 s12, s6  }
.Ltmp4:
0x16a: {  	s0 =	simm.s32 $0xB000;
	(pc) =	sbr.rel @p0 .LBB2_1-.Ltmp4, $4  }
0x16b: {  	[hbm4b:s5+s2] =	stream.linear.scatter [tilespmem:s0], [sflag:$0x2], $0x1000, $0x38;
	[tilespmem:$0xC000] =	vst v63  }
0x16c: {  	_ =	swait.ge [sflag:s7], $0x1000  }
0x16d: {  	[sflag:s7] =	ssyncset.done $0x0  }
0x16e: {  	v1 =	vimm.f32 $0.0e+00;
	[sflag:s7] =	ssyncadd.s32 $0xFFFFF000  }
0x16f: {  	_ =	sfence.sel $0x180000  }
0x170: {  	[bflag:$0x0] =	sbarrier.arrive $0xFFFF  }
0x171: {  	_ =	strace $0x90000047  }
0x172: {  	s0 =	stileid.u32;
	[bflag:$0x2] =	sbarrier.arrive $0xFFFF  }
0x173: {  	p0 =	sne.s32 s0, $0x0;
	s0 =	rddreg [dreg:$0x2]  }
0x174: {  	s0 =	sadd.s32 @!p0 $0x100000, s0  }
0x175: {  	[sflag:s0] =	ssyncadd.tile.s32 @!p0 $0x1;
	_ =	shalt  }
.Lfunc_end2:
_tile_overlayer_lowered:
.L_overlay_start_2:
0x176: {  	(tag) =	ssettag $0x2  }
0x177: {  	s0 =	rddreg [dreg:$0x0];
	s2 =	stileid.u32  }
0x178: {  	s1 =	rddreg [dreg:$0x1];
	p0 =	sne.s32 s2, $0x0  }
0x179: {  	s3 =	rddreg [dreg:$0x2];
	[bflag:$0x3] =	sbarrier.arrive $0xFFFF;
	s2 =	simm.s32 @!p0 $0x1C02  }
0x17a: {  	[timem:s3], [sflag:s2] =	dma.local @!p0 [hbm:s0], s1  }
0x17b: {  	s0 =	simm.s32 @!p0 $0x2  }
0x17c: {  	_ =	swait.ge @!p0 [sflag:s0], s1  }
0x17d: {  	s1 =	ssub.s32 @!p0 $0x0, s1;
	[sflag:s0] =	ssyncset.done @!p0 $0x0  }
0x17e: {  	[sflag:s0] =	ssyncadd.s32 @!p0 s1  }
0x17f: {  	[bflag:$0x3] =	sbarrier.arrive $0xFFFF  }
0x180: {  	_ =	shalt  }

</sc_bundles>
